<compile_context>
chip_gen: v7x
topology: tpu7x:2x2x1
jax: 0.10.2.dev20260603
libtpu: 0.0.44.dev20260713+nightly
codegen_flags: <defaults>
</compile_context>

<pallas_src>
import functools

import jax
import jax.numpy as jnp
from jax import lax
from jax.experimental import pallas as pl
from jax.experimental.pallas import tpu as pltpu
from jax.experimental.pallas import tpu_sc as plsc

BATCH = 16384
NUM_FIELDS = 26
FIELD_DIM = 100000
OUT_DIM = 16
DENSE_DIM = 13

NUM_CORES = 2
NUM_SUBCORES = 16
NUM_WORKERS = NUM_CORES * NUM_SUBCORES
ROWS_PER_WORKER = BATCH // NUM_WORKERS
BLOCK_ROWS = 128
NUM_BLOCKS = ROWS_PER_WORKER // BLOCK_ROWS
IDX_PER_BLOCK = BLOCK_ROWS * NUM_FIELDS
GATHER_ROWS = 128
NUM_GATHERS = IDX_PER_BLOCK // GATHER_ROWS
NUM_SLICES = IDX_PER_BLOCK // 16


def _dense_body(d_ref, w_ref, b_ref, sb_ref, o_ref):
    o_ref[...] = (
        jnp.dot(d_ref[...], w_ref[...], preferred_element_type=jnp.float32)
        + b_ref[...]
        + sb_ref[...]
    )


def _tree_sum(vals):
    while len(vals) > 1:
        nxt = [vals[i] + vals[i + 1] for i in range(0, len(vals) - 1, 2)]
        if len(vals) % 2:
            nxt.append(vals[-1])
        vals = nxt
    return vals[0]


_SC_MESH = plsc.VectorSubcoreMesh(
    core_axis_name="c", subcore_axis_name="s",
    num_cores=NUM_CORES, num_subcores=NUM_SUBCORES,
)


@functools.partial(
    pl.kernel,
    out_type=jax.ShapeDtypeStruct((BATCH, OUT_DIM), jnp.float32),
    mesh=_SC_MESH,
    scratch_types=[
        pltpu.VMEM((IDX_PER_BLOCK,), jnp.int32),
        pltpu.VMEM((IDX_PER_BLOCK, OUT_DIM), jnp.float32),
        pltpu.VMEM((BLOCK_ROWS, OUT_DIM), jnp.float32),
        pltpu.VMEM((BLOCK_ROWS, OUT_DIM), jnp.float32),
        pltpu.SemaphoreType.DMA,
    ],
    compiler_params=pltpu.CompilerParams(use_tc_tiling_on_sc=False),
)
def _sc_gather_sum(sparse_hbm, dout_hbm, emb_hbm, out_hbm,
                   idx1d, rows_v, dens_v, out_v, sem):
    wid = lax.axis_index("s") * NUM_CORES + lax.axis_index("c")
    base0 = wid * ROWS_PER_WORKER

    def block(b, carry):
        base = base0 + b * BLOCK_ROWS
        pltpu.sync_copy(sparse_hbm.at[pl.ds(base * NUM_FIELDS, IDX_PER_BLOCK)],
                        idx1d)
        pltpu.sync_copy(dout_hbm.at[pl.ds(base, BLOCK_ROWS), :], dens_v)

        def addoff(s, c):
            p0 = s * 16
            f = (lax.iota(jnp.int32, 16) + p0) % NUM_FIELDS
            idx1d[pl.ds(p0, 16)] = idx1d[pl.ds(p0, 16)] + f * FIELD_DIM
            return c

        lax.fori_loop(0, NUM_SLICES, addoff, 0)

        copies = []
        for g in range(NUM_GATHERS):
            copies.append(pltpu.async_copy(
                emb_hbm.at[idx1d.at[pl.ds(g * GATHER_ROWS, GATHER_ROWS)]],
                rows_v.at[pl.ds(g * GATHER_ROWS, GATHER_ROWS), :],
                sem,
            ))
        for cp in copies:
            cp.wait()

        def row(r, c):
            s = r * NUM_FIELDS
            vals = [dens_v[r, :]]
            for k in range(NUM_FIELDS):
                vals.append(rows_v[s + k, :])
            out_v[r, :] = jnp.maximum(_tree_sum(vals), 0.0)
            return c

        lax.fori_loop(0, BLOCK_ROWS, row, 0)
        pltpu.sync_copy(out_v, out_hbm.at[pl.ds(base, BLOCK_ROWS), :])
        return carry

    lax.fori_loop(0, NUM_BLOCKS, block, 0)


def kernel(dense, sparse, W_dense, b_dense, emb_table, sparse_bias):
    dense_out = pl.pallas_call(
        _dense_body,
        out_shape=jax.ShapeDtypeStruct((BATCH, OUT_DIM), jnp.float32),
    )(dense, W_dense.T, b_dense.reshape(1, OUT_DIM), sparse_bias)

    sparse_flat = sparse.astype(jnp.int32).reshape(BATCH * NUM_FIELDS)
    return _sc_gather_sum(sparse_flat, dense_out, emb_table)

# --- scband reference (transcript-rebuilt; emitter-appended) ---
"""Pipeline reference for scband-wide-40913858462151 (READ-ONLY COPY).

The authoritative reference and input builder live on the scoring server;
editing this copy changes nothing except your own understanding.
"""

import jax, jax.numpy as jnp
import numpy as np

BATCH = 16384
NUM_FIELDS = 26
FIELD_DIM = 100000
TOTAL_ROWS = NUM_FIELDS * FIELD_DIM
DENSE_DIM = 13
OUT_DIM = 16


def setup_inputs(seed: int = 0) -> dict:
    key = jax.random.key(seed)
    k1, k2, k3, k4, k5, k6 = jax.random.split(key, 6)
    dense = jax.random.normal(k1, (BATCH, DENSE_DIM), dtype=jnp.float32)
    sparse = jax.random.randint(k2, (BATCH, NUM_FIELDS), 0, FIELD_DIM, dtype=jnp.int64)
    # parameters
    W_dense = jax.random.normal(k3, (OUT_DIM, DENSE_DIM), dtype=jnp.float32) * (1.0 / np.sqrt(DENSE_DIM))
    b_dense = jax.random.normal(k4, (OUT_DIM,), dtype=jnp.float32) * 0.01
    emb_table = jax.random.normal(k5, (TOTAL_ROWS, OUT_DIM), dtype=jnp.float32) * 0.01
    sparse_bias = jnp.zeros((1, OUT_DIM), dtype=jnp.float32)
    return {"dense": dense, "sparse": sparse, "W_dense": W_dense, "b_dense": b_dense, "emb_table": emb_table, "sparse_bias": sparse_bias}


def reference(dense, sparse, W_dense, b_dense, emb_table, sparse_bias):
    # offsets: cumulative field dims (constant)
    offsets = jnp.arange(NUM_FIELDS, dtype=jnp.int64) * FIELD_DIM
    idx = sparse + offsets[None, :]  # (N, num_fields)
    # embedding lookup + sum over fields (SparseLinear)
    emb = jnp.take(emb_table, idx, axis=0)  # (N, num_fields, out_dim)
    sparse_out = jnp.sum(emb, axis=1) + sparse_bias  # (N, out_dim)
    # dense linear
    dense_out = dense @ W_dense.T + b_dense  # (N, out_dim)
    return jax.nn.relu(dense_out + sparse_out)

if __name__ == "__main__":
    import jax
    _d = setup_inputs()
    print(jax.jit(kernel)(*tuple(_d.values())))

</pallas_src>

<mosaic_0001>
#map = affine_map<(d0, d1) -> (0)>
#map1 = affine_map<(d0, d1) -> (0, 0)>
module attributes {stable_mosaic.version = 14 : i64} {
  func.func @_sc_gather_sum(%arg0: i32, %arg1: i32, %arg2: memref<425984xi32, #tpu.memory_space<hbm>>, %arg3: memref<16384x16xf32, #tpu.memory_space<hbm>>, %arg4: memref<2600000x16xf32, #tpu.memory_space<hbm>>, %arg5: memref<16384x16xf32, #tpu.memory_space<hbm>>, %arg6: memref<3328xi32, #tpu.memory_space<vmem>>, %arg7: memref<3328x16xf32, #tpu.memory_space<vmem>>, %arg8: memref<128x16xf32, #tpu.memory_space<vmem>>, %arg9: memref<128x16xf32, #tpu.memory_space<vmem>>, %arg10: memref<!tpu.dma_semaphore, #tpu.memory_space<semaphore_mem>>) attributes {dimension_semantics = [#tpu.dimension_semantics<core_parallel>, #tpu.dimension_semantics<subcore_parallel>], iteration_bounds = array<i64: 2, 16>, scalar_prefetch = 0 : i64, scratch_operands = 5 : i64, tpu.core_type = #tpu.core_type<sc_vector_subcore>, window_params = [{transform_indices = #map}, {transform_indices = #map1}, {transform_indices = #map1}, {transform_indices = #map1}]} {
    %mul3A = arith.constant 2 : i32
    %mul3A_0 = arith.muli %arg1, %mul3A : i32
    %add3A = arith.addi %mul3A_0, %arg0 : i32
    %mul3A_1 = arith.constant 512 : i32
    %mul3A_2 = arith.muli %add3A, %mul3A_1 : i32
    %scan3A = arith.constant 0 : i32
    %scan3A_3 = arith.constant 0 : i32
    %scan3A_4 = arith.constant 4 : i32
    %scan3A_5 = arith.addi %scan3A_3, %scan3A_4 : i32
    %scan3A_6 = arith.constant 1 : i32
    scf.for %scan3A_8 = %scan3A_3 to %scan3A_5 step %scan3A_6  : i32 {
      %mul3A_9 = arith.constant 128 : i32
      %mul3A_10 = arith.muli %scan3A_8, %mul3A_9 : i32
      %add3A_11 = arith.addi %mul3A_2, %mul3A_10 : i32
      %mul3A_12 = arith.constant 26 : i32
      %mul3A_13 = arith.muli %add3A_11, %mul3A_12 : i32
      "tpu.region"() ({
        %run_scoped3A = tpu.sem_alloc : memref<!tpu.dma_semaphore, #tpu.memory_space<semaphore_mem>>
        %dma_start3A_440 = tpu.memref_slice %arg2[%mul3A_13] : memref<425984xi32, #tpu.memory_space<hbm>> -> memref<3328xi32, #tpu.memory_space<hbm>>
        %dma_start3A_441 = tpu.memref_slice %arg2[%mul3A_13] : memref<425984xi32, #tpu.memory_space<hbm>> -> memref<3328xi32, #tpu.memory_space<hbm>>
        tpu.enqueue_dma source(%dma_start3A_441 : memref<3328xi32, #tpu.memory_space<hbm>>) target(%arg6 : memref<3328xi32, #tpu.memory_space<vmem>>) target_semaphore(%run_scoped3A : memref<!tpu.dma_semaphore, #tpu.memory_space<semaphore_mem>>)
        %dma_wait3A_442 = tpu.memref_slice %arg2[%mul3A_13] : memref<425984xi32, #tpu.memory_space<hbm>> -> memref<3328xi32, #tpu.memory_space<hbm>>
        %dma_wait3A_443 = tpu.memref_slice %arg2[%mul3A_13] : memref<425984xi32, #tpu.memory_space<hbm>> -> memref<3328xi32, #tpu.memory_space<hbm>>
        tpu.wait_dma2 semaphore(%run_scoped3A : memref<!tpu.dma_semaphore, #tpu.memory_space<semaphore_mem>>) src(%dma_wait3A_443 : memref<3328xi32, #tpu.memory_space<hbm>>) dst(%arg6 : memref<3328xi32, #tpu.memory_space<vmem>>)
        tpu.yield
      }) : () -> ()
      "tpu.region"() ({
        %run_scoped3A = tpu.sem_alloc : memref<!tpu.dma_semaphore, #tpu.memory_space<semaphore_mem>>
        %dma_start3A_440 = arith.constant 0 : i32
        %dma_start3A_441 = tpu.memref_slice %arg3[%add3A_11, %dma_start3A_440] : memref<16384x16xf32, #tpu.memory_space<hbm>> -> memref<128x16xf32, #tpu.memory_space<hbm>>
        %dma_start3A_442 = arith.constant 0 : i32
        %dma_start3A_443 = tpu.memref_slice %arg3[%add3A_11, %dma_start3A_442] : memref<16384x16xf32, #tpu.memory_space<hbm>> -> memref<128x16xf32, #tpu.memory_space<hbm>>
        tpu.enqueue_dma source(%dma_start3A_443 : memref<128x16xf32, #tpu.memory_space<hbm>>) target(%arg8 : memref<128x16xf32, #tpu.memory_space<vmem>>) target_semaphore(%run_scoped3A : memref<!tpu.dma_semaphore, #tpu.memory_space<semaphore_mem>>)
        %dma_wait3A_444 = arith.constant 0 : i32
        %dma_wait3A_445 = tpu.memref_slice %arg3[%add3A_11, %dma_wait3A_444] : memref<16384x16xf32, #tpu.memory_space<hbm>> -> memref<128x16xf32, #tpu.memory_space<hbm>>
        %dma_wait3A_446 = arith.constant 0 : i32
        %dma_wait3A_447 = tpu.memref_slice %arg3[%add3A_11, %dma_wait3A_446] : memref<16384x16xf32, #tpu.memory_space<hbm>> -> memref<128x16xf32, #tpu.memory_space<hbm>>
        tpu.wait_dma2 semaphore(%run_scoped3A : memref<!tpu.dma_semaphore, #tpu.memory_space<semaphore_mem>>) src(%dma_wait3A_447 : memref<128x16xf32, #tpu.memory_space<hbm>>) dst(%arg8 : memref<128x16xf32, #tpu.memory_space<vmem>>)
        tpu.yield
      }) : () -> ()
      %scan3A_14 = arith.constant 0 : i32
      %scan3A_15 = arith.constant 0 : i32
      %scan3A_16 = arith.constant 208 : i32
      %scan3A_17 = arith.addi %scan3A_15, %scan3A_16 : i32
      %scan3A_18 = arith.constant 1 : i32
      scf.for %scan3A_440 = %scan3A_15 to %scan3A_17 step %scan3A_18  : i32 {
        %mul3A_441 = arith.constant 16 : i32
        %mul3A_442 = arith.muli %scan3A_440, %mul3A_441 : i32
        %iota3A = tpu.iota {dimensions = array<i32: 0>} : vector<16xi32>
        %add3A_443 = vector.broadcast %mul3A_442 : i32 to vector<16xi32>
        %add3A_444 = arith.addi %iota3A, %add3A_443 : vector<16xi32>
        %jit3A = arith.constant 26 : i32
        %eq3A = arith.constant 0 : i32
        %eq3A_445 = arith.cmpi eq, %jit3A, %eq3A : i32
        %jit3A_446 = arith.constant 1 : i32
        %select_n3A = arith.select %eq3A_445, %jit3A_446, %jit3A : i32
        %rem3A = vector.broadcast %select_n3A : i32 to vector<16xi32>
        %rem3A_447 = arith.remsi %add3A_444, %rem3A : vector<16xi32>
        %ne3A = arith.constant 0 : i32
        %ne3A_448 = vector.broadcast %ne3A : i32 to vector<16xi32>
        %ne3A_449 = arith.cmpi ne, %rem3A_447, %ne3A_448 : vector<16xi32>
        %lt3A = arith.constant 0 : i32
        %lt3A_450 = vector.broadcast %lt3A : i32 to vector<16xi32>
        %lt3A_451 = arith.cmpi slt, %rem3A_447, %lt3A_450 : vector<16xi32>
        %lt3A_452 = arith.constant 0 : i32
        %lt3A_453 = arith.cmpi slt, %select_n3A, %lt3A_452 : i32
        %ne3A_454 = vector.broadcast %lt3A_453 : i1 to vector<16xi1>
        %ne3A_455 = vector.broadcast %ne3A_454 : vector<16xi1> to vector<16xi1>
        %ne3A_456 = arith.xori %lt3A_451, %ne3A_455 : vector<16xi1>
        %and3A = arith.andi %ne3A_456, %ne3A_449 : vector<16xi1>
        %add3A_457 = vector.broadcast %select_n3A : i32 to vector<16xi32>
        %add3A_458 = arith.addi %rem3A_447, %add3A_457 : vector<16xi32>
        %select_n3A_459 = arith.select %and3A, %add3A_458, %rem3A_447 : vector<16xi1>, vector<16xi32>
        %get3A = arith.index_cast %mul3A_442 : i32 to index
        %get3A_460 = tpu.vector_load %arg6[%get3A] {strides = array<i32>} : memref<3328xi32, #tpu.memory_space<vmem>>, vector<16xi32>,
        %get3A_461 = vector.shape_cast %get3A_460 : vector<16xi32> to vector<16xi32>
        %mul3A_462 = arith.constant 100000 : i32
        %mul3A_463 = vector.broadcast %mul3A_462 : i32 to vector<16xi32>
        %mul3A_464 = arith.muli %select_n3A_459, %mul3A_463 : vector<16xi32>
        %add3A_465 = arith.addi %get3A_461, %mul3A_464 : vector<16xi32>
        %swap3A = arith.index_cast %mul3A_442 : i32 to index
        %swap3A_466 = tpu.vector_load %arg6[%swap3A] {strides = array<i32>} : memref<3328xi32, #tpu.memory_space<vmem>>, vector<16xi32>,
        %swap3A_467 = vector.shape_cast %swap3A_466 : vector<16xi32> to vector<16xi32>
        %swap3A_468 = vector.shape_cast %add3A_465 : vector<16xi32> to vector<16xi32>
        tpu.vector_store %arg6[%swap3A], %swap3A_468 {strides = array<i32>} : memref<3328xi32, #tpu.memory_space<vmem>>, vector<16xi32>,
      }
      %scan3A_19 = arith.constant 208 : i32
      %dma_start3A = arith.constant 0 : i32
      %dma_start3A_20 = arith.constant 0 : i32
      %dma_start3A_21 = tpu.memref_slice %arg7[%dma_start3A, %dma_start3A_20] : memref<3328x16xf32, #tpu.memory_space<vmem>> -> memref<128x16xf32, #tpu.memory_space<vmem>>
      %dma_start3A_22 = arith.constant 0 : i32
      %dma_start3A_23 = tpu.memref_slice %arg6[%dma_start3A_22] : memref<3328xi32, #tpu.memory_space<vmem>> -> memref<128xi32, #tpu.memory_space<vmem>>
      %dma_start3A_24 = arith.constant 0 : i32
      %dma_start3A_25 = arith.constant 0 : i32
      %dma_start3A_26 = tpu.memref_slice %arg4[%dma_start3A_24, %dma_start3A_25] : memref<2600000x16xf32, #tpu.memory_space<hbm>> -> memref<2600000x16xf32, #tpu.memory_space<hbm>>
      tpu.enqueue_indirect_dma source(%dma_start3A_26 : memref<2600000x16xf32, #tpu.memory_space<hbm>>) target(%dma_start3A_21 : memref<128x16xf32, #tpu.memory_space<vmem>>) offsets(%dma_start3A_23 : memref<128xi32, #tpu.memory_space<vmem>>) semaphore(%arg10 : memref<!tpu.dma_semaphore, #tpu.memory_space<semaphore_mem>>)
      %dma_start3A_27 = arith.constant 128 : i32
      %dma_start3A_28 = arith.constant 0 : i32
      %dma_start3A_29 = tpu.memref_slice %arg7[%dma_start3A_27, %dma_start3A_28] : memref<3328x16xf32, #tpu.memory_space<vmem>> -> memref<128x16xf32, #tpu.memory_space<vmem>>
      %dma_start3A_30 = arith.constant 128 : i32
      %dma_start3A_31 = tpu.memref_slice %arg6[%dma_start3A_30] : memref<3328xi32, #tpu.memory_space<vmem>> -> memref<128xi32, #tpu.memory_space<vmem>>
      %dma_start3A_32 = arith.constant 0 : i32
      %dma_start3A_33 = arith.constant 0 : i32
      %dma_start3A_34 = tpu.memref_slice %arg4[%dma_start3A_32, %dma_start3A_33] : memref<2600000x16xf32, #tpu.memory_space<hbm>> -> memref<2600000x16xf32, #tpu.memory_space<hbm>>
      tpu.enqueue_indirect_dma source(%dma_start3A_34 : memref<2600000x16xf32, #tpu.memory_space<hbm>>) target(%dma_start3A_29 : memref<128x16xf32, #tpu.memory_space<vmem>>) offsets(%dma_start3A_31 : memref<128xi32, #tpu.memory_space<vmem>>) semaphore(%arg10 : memref<!tpu.dma_semaphore, #tpu.memory_space<semaphore_mem>>)
      %dma_start3A_35 = arith.constant 256 : i32
      %dma_start3A_36 = arith.constant 0 : i32
      %dma_start3A_37 = tpu.memref_slice %arg7[%dma_start3A_35, %dma_start3A_36] : memref<3328x16xf32, #tpu.memory_space<vmem>> -> memref<128x16xf32, #tpu.memory_space<vmem>>
      %dma_start3A_38 = arith.constant 256 : i32
      %dma_start3A_39 = tpu.memref_slice %arg6[%dma_start3A_38] : memref<3328xi32, #tpu.memory_space<vmem>> -> memref<128xi32, #tpu.memory_space<vmem>>
      %dma_start3A_40 = arith.constant 0 : i32
      %dma_start3A_41 = arith.constant 0 : i32
      %dma_start3A_42 = tpu.memref_slice %arg4[%dma_start3A_40, %dma_start3A_41] : memref<2600000x16xf32, #tpu.memory_space<hbm>> -> memref<2600000x16xf32, #tpu.memory_space<hbm>>
      tpu.enqueue_indirect_dma source(%dma_start3A_42 : memref<2600000x16xf32, #tpu.memory_space<hbm>>) target(%dma_start3A_37 : memref<128x16xf32, #tpu.memory_space<vmem>>) offsets(%dma_start3A_39 : memref<128xi32, #tpu.memory_space<vmem>>) semaphore(%arg10 : memref<!tpu.dma_semaphore, #tpu.memory_space<semaphore_mem>>)
      %dma_start3A_43 = arith.constant 384 : i32
      %dma_start3A_44 = arith.constant 0 : i32
      %dma_start3A_45 = tpu.memref_slice %arg7[%dma_start3A_43, %dma_start3A_44] : memref<3328x16xf32, #tpu.memory_space<vmem>> -> memref<128x16xf32, #tpu.memory_space<vmem>>
      %dma_start3A_46 = arith.constant 384 : i32
      %dma_start3A_47 = tpu.memref_slice %arg6[%dma_start3A_46] : memref<3328xi32, #tpu.memory_space<vmem>> -> memref<128xi32, #tpu.memory_space<vmem>>
      %dma_start3A_48 = arith.constant 0 : i32
      %dma_start3A_49 = arith.constant 0 : i32
      %dma_start3A_50 = tpu.memref_slice %arg4[%dma_start3A_48, %dma_start3A_49] : memref<2600000x16xf32, #tpu.memory_space<hbm>> -> memref<2600000x16xf32, #tpu.memory_space<hbm>>
      tpu.enqueue_indirect_dma source(%dma_start3A_50 : memref<2600000x16xf32, #tpu.memory_space<hbm>>) target(%dma_start3A_45 : memref<128x16xf32, #tpu.memory_space<vmem>>) offsets(%dma_start3A_47 : memref<128xi32, #tpu.memory_space<vmem>>) semaphore(%arg10 : memref<!tpu.dma_semaphore, #tpu.memory_space<semaphore_mem>>)
      %dma_start3A_51 = arith.constant 512 : i32
      %dma_start3A_52 = arith.constant 0 : i32
      %dma_start3A_53 = tpu.memref_slice %arg7[%dma_start3A_51, %dma_start3A_52] : memref<3328x16xf32, #tpu.memory_space<vmem>> -> memref<128x16xf32, #tpu.memory_space<vmem>>
      %dma_start3A_54 = arith.constant 512 : i32
      %dma_start3A_55 = tpu.memref_slice %arg6[%dma_start3A_54] : memref<3328xi32, #tpu.memory_space<vmem>> -> memref<128xi32, #tpu.memory_space<vmem>>
      %dma_start3A_56 = arith.constant 0 : i32
      %dma_start3A_57 = arith.constant 0 : i32
      %dma_start3A_58 = tpu.memref_slice %arg4[%dma_start3A_56, %dma_start3A_57] : memref<2600000x16xf32, #tpu.memory_space<hbm>> -> memref<2600000x16xf32, #tpu.memory_space<hbm>>
      tpu.enqueue_indirect_dma source(%dma_start3A_58 : memref<2600000x16xf32, #tpu.memory_space<hbm>>) target(%dma_start3A_53 : memref<128x16xf32, #tpu.memory_space<vmem>>) offsets(%dma_start3A_55 : memref<128xi32, #tpu.memory_space<vmem>>) semaphore(%arg10 : memref<!tpu.dma_semaphore, #tpu.memory_space<semaphore_mem>>)
      %dma_start3A_59 = arith.constant 640 : i32
      %dma_start3A_60 = arith.constant 0 : i32
      %dma_start3A_61 = tpu.memref_slice %arg7[%dma_start3A_59, %dma_start3A_60] : memref<3328x16xf32, #tpu.memory_space<vmem>> -> memref<128x16xf32, #tpu.memory_space<vmem>>
      %dma_start3A_62 = arith.constant 640 : i32
      %dma_start3A_63 = tpu.memref_slice %arg6[%dma_start3A_62] : memref<3328xi32, #tpu.memory_space<vmem>> -> memref<128xi32, #tpu.memory_space<vmem>>
      %dma_start3A_64 = arith.constant 0 : i32
      %dma_start3A_65 = arith.constant 0 : i32
      %dma_start3A_66 = tpu.memref_slice %arg4[%dma_start3A_64, %dma_start3A_65] : memref<2600000x16xf32, #tpu.memory_space<hbm>> -> memref<2600000x16xf32, #tpu.memory_space<hbm>>
      tpu.enqueue_indirect_dma source(%dma_start3A_66 : memref<2600000x16xf32, #tpu.memory_space<hbm>>) target(%dma_start3A_61 : memref<128x16xf32, #tpu.memory_space<vmem>>) offsets(%dma_start3A_63 : memref<128xi32, #tpu.memory_space<vmem>>) semaphore(%arg10 : memref<!tpu.dma_semaphore, #tpu.memory_space<semaphore_mem>>)
      %dma_start3A_67 = arith.constant 768 : i32
      %dma_start3A_68 = arith.constant 0 : i32
      %dma_start3A_69 = tpu.memref_slice %arg7[%dma_start3A_67, %dma_start3A_68] : memref<3328x16xf32, #tpu.memory_space<vmem>> -> memref<128x16xf32, #tpu.memory_space<vmem>>
      %dma_start3A_70 = arith.constant 768 : i32
      %dma_start3A_71 = tpu.memref_slice %arg6[%dma_start3A_70] : memref<3328xi32, #tpu.memory_space<vmem>> -> memref<128xi32, #tpu.memory_space<vmem>>
      %dma_start3A_72 = arith.constant 0 : i32
      %dma_start3A_73 = arith.constant 0 : i32
      %dma_start3A_74 = tpu.memref_slice %arg4[%dma_start3A_72, %dma_start3A_73] : memref<2600000x16xf32, #tpu.memory_space<hbm>> -> memref<2600000x16xf32, #tpu.memory_space<hbm>>
      tpu.enqueue_indirect_dma source(%dma_start3A_74 : memref<2600000x16xf32, #tpu.memory_space<hbm>>) target(%dma_start3A_69 : memref<128x16xf32, #tpu.memory_space<vmem>>) offsets(%dma_start3A_71 : memref<128xi32, #tpu.memory_space<vmem>>) semaphore(%arg10 : memref<!tpu.dma_semaphore, #tpu.memory_space<semaphore_mem>>)
      %dma_start3A_75 = arith.constant 896 : i32
      %dma_start3A_76 = arith.constant 0 : i32
      %dma_start3A_77 = tpu.memref_slice %arg7[%dma_start3A_75, %dma_start3A_76] : memref<3328x16xf32, #tpu.memory_space<vmem>> -> memref<128x16xf32, #tpu.memory_space<vmem>>
      %dma_start3A_78 = arith.constant 896 : i32
      %dma_start3A_79 = tpu.memref_slice %arg6[%dma_start3A_78] : memref<3328xi32, #tpu.memory_space<vmem>> -> memref<128xi32, #tpu.memory_space<vmem>>
      %dma_start3A_80 = arith.constant 0 : i32
      %dma_start3A_81 = arith.constant 0 : i32
      %dma_start3A_82 = tpu.memref_slice %arg4[%dma_start3A_80, %dma_start3A_81] : memref<2600000x16xf32, #tpu.memory_space<hbm>> -> memref<2600000x16xf32, #tpu.memory_space<hbm>>
      tpu.enqueue_indirect_dma source(%dma_start3A_82 : memref<2600000x16xf32, #tpu.memory_space<hbm>>) target(%dma_start3A_77 : memref<128x16xf32, #tpu.memory_space<vmem>>) offsets(%dma_start3A_79 : memref<128xi32, #tpu.memory_space<vmem>>) semaphore(%arg10 : memref<!tpu.dma_semaphore, #tpu.memory_space<semaphore_mem>>)
      %dma_start3A_83 = arith.constant 1024 : i32
      %dma_start3A_84 = arith.constant 0 : i32
      %dma_start3A_85 = tpu.memref_slice %arg7[%dma_start3A_83, %dma_start3A_84] : memref<3328x16xf32, #tpu.memory_space<vmem>> -> memref<128x16xf32, #tpu.memory_space<vmem>>
      %dma_start3A_86 = arith.constant 1024 : i32
      %dma_start3A_87 = tpu.memref_slice %arg6[%dma_start3A_86] : memref<3328xi32, #tpu.memory_space<vmem>> -> memref<128xi32, #tpu.memory_space<vmem>>
      %dma_start3A_88 = arith.constant 0 : i32
      %dma_start3A_89 = arith.constant 0 : i32
      %dma_start3A_90 = tpu.memref_slice %arg4[%dma_start3A_88, %dma_start3A_89] : memref<2600000x16xf32, #tpu.memory_space<hbm>> -> memref<2600000x16xf32, #tpu.memory_space<hbm>>
      tpu.enqueue_indirect_dma source(%dma_start3A_90 : memref<2600000x16xf32, #tpu.memory_space<hbm>>) target(%dma_start3A_85 : memref<128x16xf32, #tpu.memory_space<vmem>>) offsets(%dma_start3A_87 : memref<128xi32, #tpu.memory_space<vmem>>) semaphore(%arg10 : memref<!tpu.dma_semaphore, #tpu.memory_space<semaphore_mem>>)
      %dma_start3A_91 = arith.constant 1152 : i32
      %dma_start3A_92 = arith.constant 0 : i32
      %dma_start3A_93 = tpu.memref_slice %arg7[%dma_start3A_91, %dma_start3A_92] : memref<3328x16xf32, #tpu.memory_space<vmem>> -> memref<128x16xf32, #tpu.memory_space<vmem>>
      %dma_start3A_94 = arith.constant 1152 : i32
      %dma_start3A_95 = tpu.memref_slice %arg6[%dma_start3A_94] : memref<3328xi32, #tpu.memory_space<vmem>> -> memref<128xi32, #tpu.memory_space<vmem>>
      %dma_start3A_96 = arith.constant 0 : i32
      %dma_start3A_97 = arith.constant 0 : i32
      %dma_start3A_98 = tpu.memref_slice %arg4[%dma_start3A_96, %dma_start3A_97] : memref<2600000x16xf32, #tpu.memory_space<hbm>> -> memref<2600000x16xf32, #tpu.memory_space<hbm>>
      tpu.enqueue_indirect_dma source(%dma_start3A_98 : memref<2600000x16xf32, #tpu.memory_space<hbm>>) target(%dma_start3A_93 : memref<128x16xf32, #tpu.memory_space<vmem>>) offsets(%dma_start3A_95 : memref<128xi32, #tpu.memory_space<vmem>>) semaphore(%arg10 : memref<!tpu.dma_semaphore, #tpu.memory_space<semaphore_mem>>)
      %dma_start3A_99 = arith.constant 1280 : i32
      %dma_start3A_100 = arith.constant 0 : i32
      %dma_start3A_101 = tpu.memref_slice %arg7[%dma_start3A_99, %dma_start3A_100] : memref<3328x16xf32, #tpu.memory_space<vmem>> -> memref<128x16xf32, #tpu.memory_space<vmem>>
      %dma_start3A_102 = arith.constant 1280 : i32
      %dma_start3A_103 = tpu.memref_slice %arg6[%dma_start3A_102] : memref<3328xi32, #tpu.memory_space<vmem>> -> memref<128xi32, #tpu.memory_space<vmem>>
      %dma_start3A_104 = arith.constant 0 : i32
      %dma_start3A_105 = arith.constant 0 : i32
      %dma_start3A_106 = tpu.memref_slice %arg4[%dma_start3A_104, %dma_start3A_105] : memref<2600000x16xf32, #tpu.memory_space<hbm>> -> memref<2600000x16xf32, #tpu.memory_space<hbm>>
      tpu.enqueue_indirect_dma source(%dma_start3A_106 : memref<2600000x16xf32, #tpu.memory_space<hbm>>) target(%dma_start3A_101 : memref<128x16xf32, #tpu.memory_space<vmem>>) offsets(%dma_start3A_103 : memref<128xi32, #tpu.memory_space<vmem>>) semaphore(%arg10 : memref<!tpu.dma_semaphore, #tpu.memory_space<semaphore_mem>>)
      %dma_start3A_107 = arith.constant 1408 : i32
      %dma_start3A_108 = arith.constant 0 : i32
      %dma_start3A_109 = tpu.memref_slice %arg7[%dma_start3A_107, %dma_start3A_108] : memref<3328x16xf32, #tpu.memory_space<vmem>> -> memref<128x16xf32, #tpu.memory_space<vmem>>
      %dma_start3A_110 = arith.constant 1408 : i32
      %dma_start3A_111 = tpu.memref_slice %arg6[%dma_start3A_110] : memref<3328xi32, #tpu.memory_space<vmem>> -> memref<128xi32, #tpu.memory_space<vmem>>
      %dma_start3A_112 = arith.constant 0 : i32
      %dma_start3A_113 = arith.constant 0 : i32
      %dma_start3A_114 = tpu.memref_slice %arg4[%dma_start3A_112, %dma_start3A_113] : memref<2600000x16xf32, #tpu.memory_space<hbm>> -> memref<2600000x16xf32, #tpu.memory_space<hbm>>
      tpu.enqueue_indirect_dma source(%dma_start3A_114 : memref<2600000x16xf32, #tpu.memory_space<hbm>>) target(%dma_start3A_109 : memref<128x16xf32, #tpu.memory_space<vmem>>) offsets(%dma_start3A_111 : memref<128xi32, #tpu.memory_space<vmem>>) semaphore(%arg10 : memref<!tpu.dma_semaphore, #tpu.memory_space<semaphore_mem>>)
      %dma_start3A_115 = arith.constant 1536 : i32
      %dma_start3A_116 = arith.constant 0 : i32
      %dma_start3A_117 = tpu.memref_slice %arg7[%dma_start3A_115, %dma_start3A_116] : memref<3328x16xf32, #tpu.memory_space<vmem>> -> memref<128x16xf32, #tpu.memory_space<vmem>>
      %dma_start3A_118 = arith.constant 1536 : i32
      %dma_start3A_119 = tpu.memref_slice %arg6[%dma_start3A_118] : memref<3328xi32, #tpu.memory_space<vmem>> -> memref<128xi32, #tpu.memory_space<vmem>>
      %dma_start3A_120 = arith.constant 0 : i32
      %dma_start3A_121 = arith.constant 0 : i32
      %dma_start3A_122 = tpu.memref_slice %arg4[%dma_start3A_120, %dma_start3A_121] : memref<2600000x16xf32, #tpu.memory_space<hbm>> -> memref<2600000x16xf32, #tpu.memory_space<hbm>>
      tpu.enqueue_indirect_dma source(%dma_start3A_122 : memref<2600000x16xf32, #tpu.memory_space<hbm>>) target(%dma_start3A_117 : memref<128x16xf32, #tpu.memory_space<vmem>>) offsets(%dma_start3A_119 : memref<128xi32, #tpu.memory_space<vmem>>) semaphore(%arg10 : memref<!tpu.dma_semaphore, #tpu.memory_space<semaphore_mem>>)
      %dma_start3A_123 = arith.constant 1664 : i32
      %dma_start3A_124 = arith.constant 0 : i32
      %dma_start3A_125 = tpu.memref_slice %arg7[%dma_start3A_123, %dma_start3A_124] : memref<3328x16xf32, #tpu.memory_space<vmem>> -> memref<128x16xf32, #tpu.memory_space<vmem>>
      %dma_start3A_126 = arith.constant 1664 : i32
      %dma_start3A_127 = tpu.memref_slice %arg6[%dma_start3A_126] : memref<3328xi32, #tpu.memory_space<vmem>> -> memref<128xi32, #tpu.memory_space<vmem>>
      %dma_start3A_128 = arith.constant 0 : i32
      %dma_start3A_129 = arith.constant 0 : i32
      %dma_start3A_130 = tpu.memref_slice %arg4[%dma_start3A_128, %dma_start3A_129] : memref<2600000x16xf32, #tpu.memory_space<hbm>> -> memref<2600000x16xf32, #tpu.memory_space<hbm>>
      tpu.enqueue_indirect_dma source(%dma_start3A_130 : memref<2600000x16xf32, #tpu.memory_space<hbm>>) target(%dma_start3A_125 : memref<128x16xf32, #tpu.memory_space<vmem>>) offsets(%dma_start3A_127 : memref<128xi32, #tpu.memory_space<vmem>>) semaphore(%arg10 : memref<!tpu.dma_semaphore, #tpu.memory_space<semaphore_mem>>)
      %dma_start3A_131 = arith.constant 1792 : i32
      %dma_start3A_132 = arith.constant 0 : i32
      %dma_start3A_133 = tpu.memref_slice %arg7[%dma_start3A_131, %dma_start3A_132] : memref<3328x16xf32, #tpu.memory_space<vmem>> -> memref<128x16xf32, #tpu.memory_space<vmem>>
      %dma_start3A_134 = arith.constant 1792 : i32
      %dma_start3A_135 = tpu.memref_slice %arg6[%dma_start3A_134] : memref<3328xi32, #tpu.memory_space<vmem>> -> memref<128xi32, #tpu.memory_space<vmem>>
      %dma_start3A_136 = arith.constant 0 : i32
      %dma_start3A_137 = arith.constant 0 : i32
      %dma_start3A_138 = tpu.memref_slice %arg4[%dma_start3A_136, %dma_start3A_137] : memref<2600000x16xf32, #tpu.memory_space<hbm>> -> memref<2600000x16xf32, #tpu.memory_space<hbm>>
      tpu.enqueue_indirect_dma source(%dma_start3A_138 : memref<2600000x16xf32, #tpu.memory_space<hbm>>) target(%dma_start3A_133 : memref<128x16xf32, #tpu.memory_space<vmem>>) offsets(%dma_start3A_135 : memref<128xi32, #tpu.memory_space<vmem>>) semaphore(%arg10 : memref<!tpu.dma_semaphore, #tpu.memory_space<semaphore_mem>>)
      %dma_start3A_139 = arith.constant 1920 : i32
      %dma_start3A_140 = arith.constant 0 : i32
      %dma_start3A_141 = tpu.memref_slice %arg7[%dma_start3A_139, %dma_start3A_140] : memref<3328x16xf32, #tpu.memory_space<vmem>> -> memref<128x16xf32, #tpu.memory_space<vmem>>
      %dma_start3A_142 = arith.constant 1920 : i32
      %dma_start3A_143 = tpu.memref_slice %arg6[%dma_start3A_142] : memref<3328xi32, #tpu.memory_space<vmem>> -> memref<128xi32, #tpu.memory_space<vmem>>
      %dma_start3A_144 = arith.constant 0 : i32
      %dma_start3A_145 = arith.constant 0 : i32
      %dma_start3A_146 = tpu.memref_slice %arg4[%dma_start3A_144, %dma_start3A_145] : memref<2600000x16xf32, #tpu.memory_space<hbm>> -> memref<2600000x16xf32, #tpu.memory_space<hbm>>
      tpu.enqueue_indirect_dma source(%dma_start3A_146 : memref<2600000x16xf32, #tpu.memory_space<hbm>>) target(%dma_start3A_141 : memref<128x16xf32, #tpu.memory_space<vmem>>) offsets(%dma_start3A_143 : memref<128xi32, #tpu.memory_space<vmem>>) semaphore(%arg10 : memref<!tpu.dma_semaphore, #tpu.memory_space<semaphore_mem>>)
      %dma_start3A_147 = arith.constant 2048 : i32
      %dma_start3A_148 = arith.constant 0 : i32
      %dma_start3A_149 = tpu.memref_slice %arg7[%dma_start3A_147, %dma_start3A_148] : memref<3328x16xf32, #tpu.memory_space<vmem>> -> memref<128x16xf32, #tpu.memory_space<vmem>>
      %dma_start3A_150 = arith.constant 2048 : i32
      %dma_start3A_151 = tpu.memref_slice %arg6[%dma_start3A_150] : memref<3328xi32, #tpu.memory_space<vmem>> -> memref<128xi32, #tpu.memory_space<vmem>>
      %dma_start3A_152 = arith.constant 0 : i32
      %dma_start3A_153 = arith.constant 0 : i32
      %dma_start3A_154 = tpu.memref_slice %arg4[%dma_start3A_152, %dma_start3A_153] : memref<2600000x16xf32, #tpu.memory_space<hbm>> -> memref<2600000x16xf32, #tpu.memory_space<hbm>>
      tpu.enqueue_indirect_dma source(%dma_start3A_154 : memref<2600000x16xf32, #tpu.memory_space<hbm>>) target(%dma_start3A_149 : memref<128x16xf32, #tpu.memory_space<vmem>>) offsets(%dma_start3A_151 : memref<128xi32, #tpu.memory_space<vmem>>) semaphore(%arg10 : memref<!tpu.dma_semaphore, #tpu.memory_space<semaphore_mem>>)
      %dma_start3A_155 = arith.constant 2176 : i32
      %dma_start3A_156 = arith.constant 0 : i32
      %dma_start3A_157 = tpu.memref_slice %arg7[%dma_start3A_155, %dma_start3A_156] : memref<3328x16xf32, #tpu.memory_space<vmem>> -> memref<128x16xf32, #tpu.memory_space<vmem>>
      %dma_start3A_158 = arith.constant 2176 : i32
      %dma_start3A_159 = tpu.memref_slice %arg6[%dma_start3A_158] : memref<3328xi32, #tpu.memory_space<vmem>> -> memref<128xi32, #tpu.memory_space<vmem>>
      %dma_start3A_160 = arith.constant 0 : i32
      %dma_start3A_161 = arith.constant 0 : i32
      %dma_start3A_162 = tpu.memref_slice %arg4[%dma_start3A_160, %dma_start3A_161] : memref<2600000x16xf32, #tpu.memory_space<hbm>> -> memref<2600000x16xf32, #tpu.memory_space<hbm>>
      tpu.enqueue_indirect_dma source(%dma_start3A_162 : memref<2600000x16xf32, #tpu.memory_space<hbm>>) target(%dma_start3A_157 : memref<128x16xf32, #tpu.memory_space<vmem>>) offsets(%dma_start3A_159 : memref<128xi32, #tpu.memory_space<vmem>>) semaphore(%arg10 : memref<!tpu.dma_semaphore, #tpu.memory_space<semaphore_mem>>)
      %dma_start3A_163 = arith.constant 2304 : i32
      %dma_start3A_164 = arith.constant 0 : i32
      %dma_start3A_165 = tpu.memref_slice %arg7[%dma_start3A_163, %dma_start3A_164] : memref<3328x16xf32, #tpu.memory_space<vmem>> -> memref<128x16xf32, #tpu.memory_space<vmem>>
      %dma_start3A_166 = arith.constant 2304 : i32
      %dma_start3A_167 = tpu.memref_slice %arg6[%dma_start3A_166] : memref<3328xi32, #tpu.memory_space<vmem>> -> memref<128xi32, #tpu.memory_space<vmem>>
      %dma_start3A_168 = arith.constant 0 : i32
      %dma_start3A_169 = arith.constant 0 : i32
      %dma_start3A_170 = tpu.memref_slice %arg4[%dma_start3A_168, %dma_start3A_169] : memref<2600000x16xf32, #tpu.memory_space<hbm>> -> memref<2600000x16xf32, #tpu.memory_space<hbm>>
      tpu.enqueue_indirect_dma source(%dma_start3A_170 : memref<2600000x16xf32, #tpu.memory_space<hbm>>) target(%dma_start3A_165 : memref<128x16xf32, #tpu.memory_space<vmem>>) offsets(%dma_start3A_167 : memref<128xi32, #tpu.memory_space<vmem>>) semaphore(%arg10 : memref<!tpu.dma_semaphore, #tpu.memory_space<semaphore_mem>>)
      %dma_start3A_171 = arith.constant 2432 : i32
      %dma_start3A_172 = arith.constant 0 : i32
      %dma_start3A_173 = tpu.memref_slice %arg7[%dma_start3A_171, %dma_start3A_172] : memref<3328x16xf32, #tpu.memory_space<vmem>> -> memref<128x16xf32, #tpu.memory_space<vmem>>
      %dma_start3A_174 = arith.constant 2432 : i32
      %dma_start3A_175 = tpu.memref_slice %arg6[%dma_start3A_174] : memref<3328xi32, #tpu.memory_space<vmem>> -> memref<128xi32, #tpu.memory_space<vmem>>
      %dma_start3A_176 = arith.constant 0 : i32
      %dma_start3A_177 = arith.constant 0 : i32
      %dma_start3A_178 = tpu.memref_slice %arg4[%dma_start3A_176, %dma_start3A_177] : memref<2600000x16xf32, #tpu.memory_space<hbm>> -> memref<2600000x16xf32, #tpu.memory_space<hbm>>
      tpu.enqueue_indirect_dma source(%dma_start3A_178 : memref<2600000x16xf32, #tpu.memory_space<hbm>>) target(%dma_start3A_173 : memref<128x16xf32, #tpu.memory_space<vmem>>) offsets(%dma_start3A_175 : memref<128xi32, #tpu.memory_space<vmem>>) semaphore(%arg10 : memref<!tpu.dma_semaphore, #tpu.memory_space<semaphore_mem>>)
      %dma_start3A_179 = arith.constant 2560 : i32
      %dma_start3A_180 = arith.constant 0 : i32
      %dma_start3A_181 = tpu.memref_slice %arg7[%dma_start3A_179, %dma_start3A_180] : memref<3328x16xf32, #tpu.memory_space<vmem>> -> memref<128x16xf32, #tpu.memory_space<vmem>>
      %dma_start3A_182 = arith.constant 2560 : i32
      %dma_start3A_183 = tpu.memref_slice %arg6[%dma_start3A_182] : memref<3328xi32, #tpu.memory_space<vmem>> -> memref<128xi32, #tpu.memory_space<vmem>>
      %dma_start3A_184 = arith.constant 0 : i32
      %dma_start3A_185 = arith.constant 0 : i32
      %dma_start3A_186 = tpu.memref_slice %arg4[%dma_start3A_184, %dma_start3A_185] : memref<2600000x16xf32, #tpu.memory_space<hbm>> -> memref<2600000x16xf32, #tpu.memory_space<hbm>>
      tpu.enqueue_indirect_dma source(%dma_start3A_186 : memref<2600000x16xf32, #tpu.memory_space<hbm>>) target(%dma_start3A_181 : memref<128x16xf32, #tpu.memory_space<vmem>>) offsets(%dma_start3A_183 : memref<128xi32, #tpu.memory_space<vmem>>) semaphore(%arg10 : memref<!tpu.dma_semaphore, #tpu.memory_space<semaphore_mem>>)
      %dma_start3A_187 = arith.constant 2688 : i32
      %dma_start3A_188 = arith.constant 0 : i32
      %dma_start3A_189 = tpu.memref_slice %arg7[%dma_start3A_187, %dma_start3A_188] : memref<3328x16xf32, #tpu.memory_space<vmem>> -> memref<128x16xf32, #tpu.memory_space<vmem>>
      %dma_start3A_190 = arith.constant 2688 : i32
      %dma_start3A_191 = tpu.memref_slice %arg6[%dma_start3A_190] : memref<3328xi32, #tpu.memory_space<vmem>> -> memref<128xi32, #tpu.memory_space<vmem>>
      %dma_start3A_192 = arith.constant 0 : i32
      %dma_start3A_193 = arith.constant 0 : i32
      %dma_start3A_194 = tpu.memref_slice %arg4[%dma_start3A_192, %dma_start3A_193] : memref<2600000x16xf32, #tpu.memory_space<hbm>> -> memref<2600000x16xf32, #tpu.memory_space<hbm>>
      tpu.enqueue_indirect_dma source(%dma_start3A_194 : memref<2600000x16xf32, #tpu.memory_space<hbm>>) target(%dma_start3A_189 : memref<128x16xf32, #tpu.memory_space<vmem>>) offsets(%dma_start3A_191 : memref<128xi32, #tpu.memory_space<vmem>>) semaphore(%arg10 : memref<!tpu.dma_semaphore, #tpu.memory_space<semaphore_mem>>)
      %dma_start3A_195 = arith.constant 2816 : i32
      %dma_start3A_196 = arith.constant 0 : i32
      %dma_start3A_197 = tpu.memref_slice %arg7[%dma_start3A_195, %dma_start3A_196] : memref<3328x16xf32, #tpu.memory_space<vmem>> -> memref<128x16xf32, #tpu.memory_space<vmem>>
      %dma_start3A_198 = arith.constant 2816 : i32
      %dma_start3A_199 = tpu.memref_slice %arg6[%dma_start3A_198] : memref<3328xi32, #tpu.memory_space<vmem>> -> memref<128xi32, #tpu.memory_space<vmem>>
      %dma_start3A_200 = arith.constant 0 : i32
      %dma_start3A_201 = arith.constant 0 : i32
      %dma_start3A_202 = tpu.memref_slice %arg4[%dma_start3A_200, %dma_start3A_201] : memref<2600000x16xf32, #tpu.memory_space<hbm>> -> memref<2600000x16xf32, #tpu.memory_space<hbm>>
      tpu.enqueue_indirect_dma source(%dma_start3A_202 : memref<2600000x16xf32, #tpu.memory_space<hbm>>) target(%dma_start3A_197 : memref<128x16xf32, #tpu.memory_space<vmem>>) offsets(%dma_start3A_199 : memref<128xi32, #tpu.memory_space<vmem>>) semaphore(%arg10 : memref<!tpu.dma_semaphore, #tpu.memory_space<semaphore_mem>>)
      %dma_start3A_203 = arith.constant 2944 : i32
      %dma_start3A_204 = arith.constant 0 : i32
      %dma_start3A_205 = tpu.memref_slice %arg7[%dma_start3A_203, %dma_start3A_204] : memref<3328x16xf32, #tpu.memory_space<vmem>> -> memref<128x16xf32, #tpu.memory_space<vmem>>
      %dma_start3A_206 = arith.constant 2944 : i32
      %dma_start3A_207 = tpu.memref_slice %arg6[%dma_start3A_206] : memref<3328xi32, #tpu.memory_space<vmem>> -> memref<128xi32, #tpu.memory_space<vmem>>
      %dma_start3A_208 = arith.constant 0 : i32
      %dma_start3A_209 = arith.constant 0 : i32
      %dma_start3A_210 = tpu.memref_slice %arg4[%dma_start3A_208, %dma_start3A_209] : memref<2600000x16xf32, #tpu.memory_space<hbm>> -> memref<2600000x16xf32, #tpu.memory_space<hbm>>
      tpu.enqueue_indirect_dma source(%dma_start3A_210 : memref<2600000x16xf32, #tpu.memory_space<hbm>>) target(%dma_start3A_205 : memref<128x16xf32, #tpu.memory_space<vmem>>) offsets(%dma_start3A_207 : memref<128xi32, #tpu.memory_space<vmem>>) semaphore(%arg10 : memref<!tpu.dma_semaphore, #tpu.memory_space<semaphore_mem>>)
      %dma_start3A_211 = arith.constant 3072 : i32
      %dma_start3A_212 = arith.constant 0 : i32
      %dma_start3A_213 = tpu.memref_slice %arg7[%dma_start3A_211, %dma_start3A_212] : memref<3328x16xf32, #tpu.memory_space<vmem>> -> memref<128x16xf32, #tpu.memory_space<vmem>>
      %dma_start3A_214 = arith.constant 3072 : i32
      %dma_start3A_215 = tpu.memref_slice %arg6[%dma_start3A_214] : memref<3328xi32, #tpu.memory_space<vmem>> -> memref<128xi32, #tpu.memory_space<vmem>>
      %dma_start3A_216 = arith.constant 0 : i32
      %dma_start3A_217 = arith.constant 0 : i32
      %dma_start3A_218 = tpu.memref_slice %arg4[%dma_start3A_216, %dma_start3A_217] : memref<2600000x16xf32, #tpu.memory_space<hbm>> -> memref<2600000x16xf32, #tpu.memory_space<hbm>>
      tpu.enqueue_indirect_dma source(%dma_start3A_218 : memref<2600000x16xf32, #tpu.memory_space<hbm>>) target(%dma_start3A_213 : memref<128x16xf32, #tpu.memory_space<vmem>>) offsets(%dma_start3A_215 : memref<128xi32, #tpu.memory_space<vmem>>) semaphore(%arg10 : memref<!tpu.dma_semaphore, #tpu.memory_space<semaphore_mem>>)
      %dma_start3A_219 = arith.constant 3200 : i32
      %dma_start3A_220 = arith.constant 0 : i32
      %dma_start3A_221 = tpu.memref_slice %arg7[%dma_start3A_219, %dma_start3A_220] : memref<3328x16xf32, #tpu.memory_space<vmem>> -> memref<128x16xf32, #tpu.memory_space<vmem>>
      %dma_start3A_222 = arith.constant 3200 : i32
      %dma_start3A_223 = tpu.memref_slice %arg6[%dma_start3A_222] : memref<3328xi32, #tpu.memory_space<vmem>> -> memref<128xi32, #tpu.memory_space<vmem>>
      %dma_start3A_224 = arith.constant 0 : i32
      %dma_start3A_225 = arith.constant 0 : i32
      %dma_start3A_226 = tpu.memref_slice %arg4[%dma_start3A_224, %dma_start3A_225] : memref<2600000x16xf32, #tpu.memory_space<hbm>> -> memref<2600000x16xf32, #tpu.memory_space<hbm>>
      tpu.enqueue_indirect_dma source(%dma_start3A_226 : memref<2600000x16xf32, #tpu.memory_space<hbm>>) target(%dma_start3A_221 : memref<128x16xf32, #tpu.memory_space<vmem>>) offsets(%dma_start3A_223 : memref<128xi32, #tpu.memory_space<vmem>>) semaphore(%arg10 : memref<!tpu.dma_semaphore, #tpu.memory_space<semaphore_mem>>)
      %dma_wait3A = arith.constant 0 : i32
      %dma_wait3A_227 = arith.constant 0 : i32
      %dma_wait3A_228 = tpu.memref_slice %arg7[%dma_wait3A, %dma_wait3A_227] : memref<3328x16xf32, #tpu.memory_space<vmem>> -> memref<128x16xf32, #tpu.memory_space<vmem>>
      %dma_wait3A_229 = arith.constant 0 : i32
      %dma_wait3A_230 = tpu.memref_slice %arg6[%dma_wait3A_229] : memref<3328xi32, #tpu.memory_space<vmem>> -> memref<128xi32, #tpu.memory_space<vmem>>
      %dma_wait3A_231 = arith.constant 0 : i32
      %dma_wait3A_232 = arith.constant 0 : i32
      %dma_wait3A_233 = tpu.memref_slice %arg4[%dma_wait3A_231, %dma_wait3A_232] : memref<2600000x16xf32, #tpu.memory_space<hbm>> -> memref<2600000x16xf32, #tpu.memory_space<hbm>>
      tpu.wait_indirect_dma semaphore(%arg10 : memref<!tpu.dma_semaphore, #tpu.memory_space<semaphore_mem>>) src(%dma_wait3A_233 : memref<2600000x16xf32, #tpu.memory_space<hbm>>) dst(%dma_wait3A_228 : memref<128x16xf32, #tpu.memory_space<vmem>>)
      %dma_wait3A_234 = arith.constant 128 : i32
      %dma_wait3A_235 = arith.constant 0 : i32
      %dma_wait3A_236 = tpu.memref_slice %arg7[%dma_wait3A_234, %dma_wait3A_235] : memref<3328x16xf32, #tpu.memory_space<vmem>> -> memref<128x16xf32, #tpu.memory_space<vmem>>
      %dma_wait3A_237 = arith.constant 128 : i32
      %dma_wait3A_238 = tpu.memref_slice %arg6[%dma_wait3A_237] : memref<3328xi32, #tpu.memory_space<vmem>> -> memref<128xi32, #tpu.memory_space<vmem>>
      %dma_wait3A_239 = arith.constant 0 : i32
      %dma_wait3A_240 = arith.constant 0 : i32
      %dma_wait3A_241 = tpu.memref_slice %arg4[%dma_wait3A_239, %dma_wait3A_240] : memref<2600000x16xf32, #tpu.memory_space<hbm>> -> memref<2600000x16xf32, #tpu.memory_space<hbm>>
      tpu.wait_indirect_dma semaphore(%arg10 : memref<!tpu.dma_semaphore, #tpu.memory_space<semaphore_mem>>) src(%dma_wait3A_241 : memref<2600000x16xf32, #tpu.memory_space<hbm>>) dst(%dma_wait3A_236 : memref<128x16xf32, #tpu.memory_space<vmem>>)
      %dma_wait3A_242 = arith.constant 256 : i32
      %dma_wait3A_243 = arith.constant 0 : i32
      %dma_wait3A_244 = tpu.memref_slice %arg7[%dma_wait3A_242, %dma_wait3A_243] : memref<3328x16xf32, #tpu.memory_space<vmem>> -> memref<128x16xf32, #tpu.memory_space<vmem>>
      %dma_wait3A_245 = arith.constant 256 : i32
      %dma_wait3A_246 = tpu.memref_slice %arg6[%dma_wait3A_245] : memref<3328xi32, #tpu.memory_space<vmem>> -> memref<128xi32, #tpu.memory_space<vmem>>
      %dma_wait3A_247 = arith.constant 0 : i32
      %dma_wait3A_248 = arith.constant 0 : i32
      %dma_wait3A_249 = tpu.memref_slice %arg4[%dma_wait3A_247, %dma_wait3A_248] : memref<2600000x16xf32, #tpu.memory_space<hbm>> -> memref<2600000x16xf32, #tpu.memory_space<hbm>>
      tpu.wait_indirect_dma semaphore(%arg10 : memref<!tpu.dma_semaphore, #tpu.memory_space<semaphore_mem>>) src(%dma_wait3A_249 : memref<2600000x16xf32, #tpu.memory_space<hbm>>) dst(%dma_wait3A_244 : memref<128x16xf32, #tpu.memory_space<vmem>>)
      %dma_wait3A_250 = arith.constant 384 : i32
      %dma_wait3A_251 = arith.constant 0 : i32
      %dma_wait3A_252 = tpu.memref_slice %arg7[%dma_wait3A_250, %dma_wait3A_251] : memref<3328x16xf32, #tpu.memory_space<vmem>> -> memref<128x16xf32, #tpu.memory_space<vmem>>
      %dma_wait3A_253 = arith.constant 384 : i32
      %dma_wait3A_254 = tpu.memref_slice %arg6[%dma_wait3A_253] : memref<3328xi32, #tpu.memory_space<vmem>> -> memref<128xi32, #tpu.memory_space<vmem>>
      %dma_wait3A_255 = arith.constant 0 : i32
      %dma_wait3A_256 = arith.constant 0 : i32
      %dma_wait3A_257 = tpu.memref_slice %arg4[%dma_wait3A_255, %dma_wait3A_256] : memref<2600000x16xf32, #tpu.memory_space<hbm>> -> memref<2600000x16xf32, #tpu.memory_space<hbm>>
      tpu.wait_indirect_dma semaphore(%arg10 : memref<!tpu.dma_semaphore, #tpu.memory_space<semaphore_mem>>) src(%dma_wait3A_257 : memref<2600000x16xf32, #tpu.memory_space<hbm>>) dst(%dma_wait3A_252 : memref<128x16xf32, #tpu.memory_space<vmem>>)
      %dma_wait3A_258 = arith.constant 512 : i32
      %dma_wait3A_259 = arith.constant 0 : i32
      %dma_wait3A_260 = tpu.memref_slice %arg7[%dma_wait3A_258, %dma_wait3A_259] : memref<3328x16xf32, #tpu.memory_space<vmem>> -> memref<128x16xf32, #tpu.memory_space<vmem>>
      %dma_wait3A_261 = arith.constant 512 : i32
      %dma_wait3A_262 = tpu.memref_slice %arg6[%dma_wait3A_261] : memref<3328xi32, #tpu.memory_space<vmem>> -> memref<128xi32, #tpu.memory_space<vmem>>
      %dma_wait3A_263 = arith.constant 0 : i32
      %dma_wait3A_264 = arith.constant 0 : i32
      %dma_wait3A_265 = tpu.memref_slice %arg4[%dma_wait3A_263, %dma_wait3A_264] : memref<2600000x16xf32, #tpu.memory_space<hbm>> -> memref<2600000x16xf32, #tpu.memory_space<hbm>>
      tpu.wait_indirect_dma semaphore(%arg10 : memref<!tpu.dma_semaphore, #tpu.memory_space<semaphore_mem>>) src(%dma_wait3A_265 : memref<2600000x16xf32, #tpu.memory_space<hbm>>) dst(%dma_wait3A_260 : memref<128x16xf32, #tpu.memory_space<vmem>>)
      %dma_wait3A_266 = arith.constant 640 : i32
      %dma_wait3A_267 = arith.constant 0 : i32
      %dma_wait3A_268 = tpu.memref_slice %arg7[%dma_wait3A_266, %dma_wait3A_267] : memref<3328x16xf32, #tpu.memory_space<vmem>> -> memref<128x16xf32, #tpu.memory_space<vmem>>
      %dma_wait3A_269 = arith.constant 640 : i32
      %dma_wait3A_270 = tpu.memref_slice %arg6[%dma_wait3A_269] : memref<3328xi32, #tpu.memory_space<vmem>> -> memref<128xi32, #tpu.memory_space<vmem>>
      %dma_wait3A_271 = arith.constant 0 : i32
      %dma_wait3A_272 = arith.constant 0 : i32
      %dma_wait3A_273 = tpu.memref_slice %arg4[%dma_wait3A_271, %dma_wait3A_272] : memref<2600000x16xf32, #tpu.memory_space<hbm>> -> memref<2600000x16xf32, #tpu.memory_space<hbm>>
      tpu.wait_indirect_dma semaphore(%arg10 : memref<!tpu.dma_semaphore, #tpu.memory_space<semaphore_mem>>) src(%dma_wait3A_273 : memref<2600000x16xf32, #tpu.memory_space<hbm>>) dst(%dma_wait3A_268 : memref<128x16xf32, #tpu.memory_space<vmem>>)
      %dma_wait3A_274 = arith.constant 768 : i32
      %dma_wait3A_275 = arith.constant 0 : i32
      %dma_wait3A_276 = tpu.memref_slice %arg7[%dma_wait3A_274, %dma_wait3A_275] : memref<3328x16xf32, #tpu.memory_space<vmem>> -> memref<128x16xf32, #tpu.memory_space<vmem>>
      %dma_wait3A_277 = arith.constant 768 : i32
      %dma_wait3A_278 = tpu.memref_slice %arg6[%dma_wait3A_277] : memref<3328xi32, #tpu.memory_space<vmem>> -> memref<128xi32, #tpu.memory_space<vmem>>
      %dma_wait3A_279 = arith.constant 0 : i32
      %dma_wait3A_280 = arith.constant 0 : i32
      %dma_wait3A_281 = tpu.memref_slice %arg4[%dma_wait3A_279, %dma_wait3A_280] : memref<2600000x16xf32, #tpu.memory_space<hbm>> -> memref<2600000x16xf32, #tpu.memory_space<hbm>>
      tpu.wait_indirect_dma semaphore(%arg10 : memref<!tpu.dma_semaphore, #tpu.memory_space<semaphore_mem>>) src(%dma_wait3A_281 : memref<2600000x16xf32, #tpu.memory_space<hbm>>) dst(%dma_wait3A_276 : memref<128x16xf32, #tpu.memory_space<vmem>>)
      %dma_wait3A_282 = arith.constant 896 : i32
      %dma_wait3A_283 = arith.constant 0 : i32
      %dma_wait3A_284 = tpu.memref_slice %arg7[%dma_wait3A_282, %dma_wait3A_283] : memref<3328x16xf32, #tpu.memory_space<vmem>> -> memref<128x16xf32, #tpu.memory_space<vmem>>
      %dma_wait3A_285 = arith.constant 896 : i32
      %dma_wait3A_286 = tpu.memref_slice %arg6[%dma_wait3A_285] : memref<3328xi32, #tpu.memory_space<vmem>> -> memref<128xi32, #tpu.memory_space<vmem>>
      %dma_wait3A_287 = arith.constant 0 : i32
      %dma_wait3A_288 = arith.constant 0 : i32
      %dma_wait3A_289 = tpu.memref_slice %arg4[%dma_wait3A_287, %dma_wait3A_288] : memref<2600000x16xf32, #tpu.memory_space<hbm>> -> memref<2600000x16xf32, #tpu.memory_space<hbm>>
      tpu.wait_indirect_dma semaphore(%arg10 : memref<!tpu.dma_semaphore, #tpu.memory_space<semaphore_mem>>) src(%dma_wait3A_289 : memref<2600000x16xf32, #tpu.memory_space<hbm>>) dst(%dma_wait3A_284 : memref<128x16xf32, #tpu.memory_space<vmem>>)
      %dma_wait3A_290 = arith.constant 1024 : i32
      %dma_wait3A_291 = arith.constant 0 : i32
      %dma_wait3A_292 = tpu.memref_slice %arg7[%dma_wait3A_290, %dma_wait3A_291] : memref<3328x16xf32, #tpu.memory_space<vmem>> -> memref<128x16xf32, #tpu.memory_space<vmem>>
      %dma_wait3A_293 = arith.constant 1024 : i32
      %dma_wait3A_294 = tpu.memref_slice %arg6[%dma_wait3A_293] : memref<3328xi32, #tpu.memory_space<vmem>> -> memref<128xi32, #tpu.memory_space<vmem>>
      %dma_wait3A_295 = arith.constant 0 : i32
      %dma_wait3A_296 = arith.constant 0 : i32
      %dma_wait3A_297 = tpu.memref_slice %arg4[%dma_wait3A_295, %dma_wait3A_296] : memref<2600000x16xf32, #tpu.memory_space<hbm>> -> memref<2600000x16xf32, #tpu.memory_space<hbm>>
      tpu.wait_indirect_dma semaphore(%arg10 : memref<!tpu.dma_semaphore, #tpu.memory_space<semaphore_mem>>) src(%dma_wait3A_297 : memref<2600000x16xf32, #tpu.memory_space<hbm>>) dst(%dma_wait3A_292 : memref<128x16xf32, #tpu.memory_space<vmem>>)
      %dma_wait3A_298 = arith.constant 1152 : i32
      %dma_wait3A_299 = arith.constant 0 : i32
      %dma_wait3A_300 = tpu.memref_slice %arg7[%dma_wait3A_298, %dma_wait3A_299] : memref<3328x16xf32, #tpu.memory_space<vmem>> -> memref<128x16xf32, #tpu.memory_space<vmem>>
      %dma_wait3A_301 = arith.constant 1152 : i32
      %dma_wait3A_302 = tpu.memref_slice %arg6[%dma_wait3A_301] : memref<3328xi32, #tpu.memory_space<vmem>> -> memref<128xi32, #tpu.memory_space<vmem>>
      %dma_wait3A_303 = arith.constant 0 : i32
      %dma_wait3A_304 = arith.constant 0 : i32
      %dma_wait3A_305 = tpu.memref_slice %arg4[%dma_wait3A_303, %dma_wait3A_304] : memref<2600000x16xf32, #tpu.memory_space<hbm>> -> memref<2600000x16xf32, #tpu.memory_space<hbm>>
      tpu.wait_indirect_dma semaphore(%arg10 : memref<!tpu.dma_semaphore, #tpu.memory_space<semaphore_mem>>) src(%dma_wait3A_305 : memref<2600000x16xf32, #tpu.memory_space<hbm>>) dst(%dma_wait3A_300 : memref<128x16xf32, #tpu.memory_space<vmem>>)
      %dma_wait3A_306 = arith.constant 1280 : i32
      %dma_wait3A_307 = arith.constant 0 : i32
      %dma_wait3A_308 = tpu.memref_slice %arg7[%dma_wait3A_306, %dma_wait3A_307] : memref<3328x16xf32, #tpu.memory_space<vmem>> -> memref<128x16xf32, #tpu.memory_space<vmem>>
      %dma_wait3A_309 = arith.constant 1280 : i32
      %dma_wait3A_310 = tpu.memref_slice %arg6[%dma_wait3A_309] : memref<3328xi32, #tpu.memory_space<vmem>> -> memref<128xi32, #tpu.memory_space<vmem>>
      %dma_wait3A_311 = arith.constant 0 : i32
      %dma_wait3A_312 = arith.constant 0 : i32
      %dma_wait3A_313 = tpu.memref_slice %arg4[%dma_wait3A_311, %dma_wait3A_312] : memref<2600000x16xf32, #tpu.memory_space<hbm>> -> memref<2600000x16xf32, #tpu.memory_space<hbm>>
      tpu.wait_indirect_dma semaphore(%arg10 : memref<!tpu.dma_semaphore, #tpu.memory_space<semaphore_mem>>) src(%dma_wait3A_313 : memref<2600000x16xf32, #tpu.memory_space<hbm>>) dst(%dma_wait3A_308 : memref<128x16xf32, #tpu.memory_space<vmem>>)
      %dma_wait3A_314 = arith.constant 1408 : i32
      %dma_wait3A_315 = arith.constant 0 : i32
      %dma_wait3A_316 = tpu.memref_slice %arg7[%dma_wait3A_314, %dma_wait3A_315] : memref<3328x16xf32, #tpu.memory_space<vmem>> -> memref<128x16xf32, #tpu.memory_space<vmem>>
      %dma_wait3A_317 = arith.constant 1408 : i32
      %dma_wait3A_318 = tpu.memref_slice %arg6[%dma_wait3A_317] : memref<3328xi32, #tpu.memory_space<vmem>> -> memref<128xi32, #tpu.memory_space<vmem>>
      %dma_wait3A_319 = arith.constant 0 : i32
      %dma_wait3A_320 = arith.constant 0 : i32
      %dma_wait3A_321 = tpu.memref_slice %arg4[%dma_wait3A_319, %dma_wait3A_320] : memref<2600000x16xf32, #tpu.memory_space<hbm>> -> memref<2600000x16xf32, #tpu.memory_space<hbm>>
      tpu.wait_indirect_dma semaphore(%arg10 : memref<!tpu.dma_semaphore, #tpu.memory_space<semaphore_mem>>) src(%dma_wait3A_321 : memref<2600000x16xf32, #tpu.memory_space<hbm>>) dst(%dma_wait3A_316 : memref<128x16xf32, #tpu.memory_space<vmem>>)
      %dma_wait3A_322 = arith.constant 1536 : i32
      %dma_wait3A_323 = arith.constant 0 : i32
      %dma_wait3A_324 = tpu.memref_slice %arg7[%dma_wait3A_322, %dma_wait3A_323] : memref<3328x16xf32, #tpu.memory_space<vmem>> -> memref<128x16xf32, #tpu.memory_space<vmem>>
      %dma_wait3A_325 = arith.constant 1536 : i32
      %dma_wait3A_326 = tpu.memref_slice %arg6[%dma_wait3A_325] : memref<3328xi32, #tpu.memory_space<vmem>> -> memref<128xi32, #tpu.memory_space<vmem>>
      %dma_wait3A_327 = arith.constant 0 : i32
      %dma_wait3A_328 = arith.constant 0 : i32
      %dma_wait3A_329 = tpu.memref_slice %arg4[%dma_wait3A_327, %dma_wait3A_328] : memref<2600000x16xf32, #tpu.memory_space<hbm>> -> memref<2600000x16xf32, #tpu.memory_space<hbm>>
      tpu.wait_indirect_dma semaphore(%arg10 : memref<!tpu.dma_semaphore, #tpu.memory_space<semaphore_mem>>) src(%dma_wait3A_329 : memref<2600000x16xf32, #tpu.memory_space<hbm>>) dst(%dma_wait3A_324 : memref<128x16xf32, #tpu.memory_space<vmem>>)
      %dma_wait3A_330 = arith.constant 1664 : i32
      %dma_wait3A_331 = arith.constant 0 : i32
      %dma_wait3A_332 = tpu.memref_slice %arg7[%dma_wait3A_330, %dma_wait3A_331] : memref<3328x16xf32, #tpu.memory_space<vmem>> -> memref<128x16xf32, #tpu.memory_space<vmem>>
      %dma_wait3A_333 = arith.constant 1664 : i32
      %dma_wait3A_334 = tpu.memref_slice %arg6[%dma_wait3A_333] : memref<3328xi32, #tpu.memory_space<vmem>> -> memref<128xi32, #tpu.memory_space<vmem>>
      %dma_wait3A_335 = arith.constant 0 : i32
      %dma_wait3A_336 = arith.constant 0 : i32
      %dma_wait3A_337 = tpu.memref_slice %arg4[%dma_wait3A_335, %dma_wait3A_336] : memref<2600000x16xf32, #tpu.memory_space<hbm>> -> memref<2600000x16xf32, #tpu.memory_space<hbm>>
      tpu.wait_indirect_dma semaphore(%arg10 : memref<!tpu.dma_semaphore, #tpu.memory_space<semaphore_mem>>) src(%dma_wait3A_337 : memref<2600000x16xf32, #tpu.memory_space<hbm>>) dst(%dma_wait3A_332 : memref<128x16xf32, #tpu.memory_space<vmem>>)
      %dma_wait3A_338 = arith.constant 1792 : i32
      %dma_wait3A_339 = arith.constant 0 : i32
      %dma_wait3A_340 = tpu.memref_slice %arg7[%dma_wait3A_338, %dma_wait3A_339] : memref<3328x16xf32, #tpu.memory_space<vmem>> -> memref<128x16xf32, #tpu.memory_space<vmem>>
      %dma_wait3A_341 = arith.constant 1792 : i32
      %dma_wait3A_342 = tpu.memref_slice %arg6[%dma_wait3A_341] : memref<3328xi32, #tpu.memory_space<vmem>> -> memref<128xi32, #tpu.memory_space<vmem>>
      %dma_wait3A_343 = arith.constant 0 : i32
      %dma_wait3A_344 = arith.constant 0 : i32
      %dma_wait3A_345 = tpu.memref_slice %arg4[%dma_wait3A_343, %dma_wait3A_344] : memref<2600000x16xf32, #tpu.memory_space<hbm>> -> memref<2600000x16xf32, #tpu.memory_space<hbm>>
      tpu.wait_indirect_dma semaphore(%arg10 : memref<!tpu.dma_semaphore, #tpu.memory_space<semaphore_mem>>) src(%dma_wait3A_345 : memref<2600000x16xf32, #tpu.memory_space<hbm>>) dst(%dma_wait3A_340 : memref<128x16xf32, #tpu.memory_space<vmem>>)
      %dma_wait3A_346 = arith.constant 1920 : i32
      %dma_wait3A_347 = arith.constant 0 : i32
      %dma_wait3A_348 = tpu.memref_slice %arg7[%dma_wait3A_346, %dma_wait3A_347] : memref<3328x16xf32, #tpu.memory_space<vmem>> -> memref<128x16xf32, #tpu.memory_space<vmem>>
      %dma_wait3A_349 = arith.constant 1920 : i32
      %dma_wait3A_350 = tpu.memref_slice %arg6[%dma_wait3A_349] : memref<3328xi32, #tpu.memory_space<vmem>> -> memref<128xi32, #tpu.memory_space<vmem>>
      %dma_wait3A_351 = arith.constant 0 : i32
      %dma_wait3A_352 = arith.constant 0 : i32
      %dma_wait3A_353 = tpu.memref_slice %arg4[%dma_wait3A_351, %dma_wait3A_352] : memref<2600000x16xf32, #tpu.memory_space<hbm>> -> memref<2600000x16xf32, #tpu.memory_space<hbm>>
      tpu.wait_indirect_dma semaphore(%arg10 : memref<!tpu.dma_semaphore, #tpu.memory_space<semaphore_mem>>) src(%dma_wait3A_353 : memref<2600000x16xf32, #tpu.memory_space<hbm>>) dst(%dma_wait3A_348 : memref<128x16xf32, #tpu.memory_space<vmem>>)
      %dma_wait3A_354 = arith.constant 2048 : i32
      %dma_wait3A_355 = arith.constant 0 : i32
      %dma_wait3A_356 = tpu.memref_slice %arg7[%dma_wait3A_354, %dma_wait3A_355] : memref<3328x16xf32, #tpu.memory_space<vmem>> -> memref<128x16xf32, #tpu.memory_space<vmem>>
      %dma_wait3A_357 = arith.constant 2048 : i32
      %dma_wait3A_358 = tpu.memref_slice %arg6[%dma_wait3A_357] : memref<3328xi32, #tpu.memory_space<vmem>> -> memref<128xi32, #tpu.memory_space<vmem>>
      %dma_wait3A_359 = arith.constant 0 : i32
      %dma_wait3A_360 = arith.constant 0 : i32
      %dma_wait3A_361 = tpu.memref_slice %arg4[%dma_wait3A_359, %dma_wait3A_360] : memref<2600000x16xf32, #tpu.memory_space<hbm>> -> memref<2600000x16xf32, #tpu.memory_space<hbm>>
      tpu.wait_indirect_dma semaphore(%arg10 : memref<!tpu.dma_semaphore, #tpu.memory_space<semaphore_mem>>) src(%dma_wait3A_361 : memref<2600000x16xf32, #tpu.memory_space<hbm>>) dst(%dma_wait3A_356 : memref<128x16xf32, #tpu.memory_space<vmem>>)
      %dma_wait3A_362 = arith.constant 2176 : i32
      %dma_wait3A_363 = arith.constant 0 : i32
      %dma_wait3A_364 = tpu.memref_slice %arg7[%dma_wait3A_362, %dma_wait3A_363] : memref<3328x16xf32, #tpu.memory_space<vmem>> -> memref<128x16xf32, #tpu.memory_space<vmem>>
      %dma_wait3A_365 = arith.constant 2176 : i32
      %dma_wait3A_366 = tpu.memref_slice %arg6[%dma_wait3A_365] : memref<3328xi32, #tpu.memory_space<vmem>> -> memref<128xi32, #tpu.memory_space<vmem>>
      %dma_wait3A_367 = arith.constant 0 : i32
      %dma_wait3A_368 = arith.constant 0 : i32
      %dma_wait3A_369 = tpu.memref_slice %arg4[%dma_wait3A_367, %dma_wait3A_368] : memref<2600000x16xf32, #tpu.memory_space<hbm>> -> memref<2600000x16xf32, #tpu.memory_space<hbm>>
      tpu.wait_indirect_dma semaphore(%arg10 : memref<!tpu.dma_semaphore, #tpu.memory_space<semaphore_mem>>) src(%dma_wait3A_369 : memref<2600000x16xf32, #tpu.memory_space<hbm>>) dst(%dma_wait3A_364 : memref<128x16xf32, #tpu.memory_space<vmem>>)
      %dma_wait3A_370 = arith.constant 2304 : i32
      %dma_wait3A_371 = arith.constant 0 : i32
      %dma_wait3A_372 = tpu.memref_slice %arg7[%dma_wait3A_370, %dma_wait3A_371] : memref<3328x16xf32, #tpu.memory_space<vmem>> -> memref<128x16xf32, #tpu.memory_space<vmem>>
      %dma_wait3A_373 = arith.constant 2304 : i32
      %dma_wait3A_374 = tpu.memref_slice %arg6[%dma_wait3A_373] : memref<3328xi32, #tpu.memory_space<vmem>> -> memref<128xi32, #tpu.memory_space<vmem>>
      %dma_wait3A_375 = arith.constant 0 : i32
      %dma_wait3A_376 = arith.constant 0 : i32
      %dma_wait3A_377 = tpu.memref_slice %arg4[%dma_wait3A_375, %dma_wait3A_376] : memref<2600000x16xf32, #tpu.memory_space<hbm>> -> memref<2600000x16xf32, #tpu.memory_space<hbm>>
      tpu.wait_indirect_dma semaphore(%arg10 : memref<!tpu.dma_semaphore, #tpu.memory_space<semaphore_mem>>) src(%dma_wait3A_377 : memref<2600000x16xf32, #tpu.memory_space<hbm>>) dst(%dma_wait3A_372 : memref<128x16xf32, #tpu.memory_space<vmem>>)
      %dma_wait3A_378 = arith.constant 2432 : i32
      %dma_wait3A_379 = arith.constant 0 : i32
      %dma_wait3A_380 = tpu.memref_slice %arg7[%dma_wait3A_378, %dma_wait3A_379] : memref<3328x16xf32, #tpu.memory_space<vmem>> -> memref<128x16xf32, #tpu.memory_space<vmem>>
      %dma_wait3A_381 = arith.constant 2432 : i32
      %dma_wait3A_382 = tpu.memref_slice %arg6[%dma_wait3A_381] : memref<3328xi32, #tpu.memory_space<vmem>> -> memref<128xi32, #tpu.memory_space<vmem>>
      %dma_wait3A_383 = arith.constant 0 : i32
      %dma_wait3A_384 = arith.constant 0 : i32
      %dma_wait3A_385 = tpu.memref_slice %arg4[%dma_wait3A_383, %dma_wait3A_384] : memref<2600000x16xf32, #tpu.memory_space<hbm>> -> memref<2600000x16xf32, #tpu.memory_space<hbm>>
      tpu.wait_indirect_dma semaphore(%arg10 : memref<!tpu.dma_semaphore, #tpu.memory_space<semaphore_mem>>) src(%dma_wait3A_385 : memref<2600000x16xf32, #tpu.memory_space<hbm>>) dst(%dma_wait3A_380 : memref<128x16xf32, #tpu.memory_space<vmem>>)
      %dma_wait3A_386 = arith.constant 2560 : i32
      %dma_wait3A_387 = arith.constant 0 : i32
      %dma_wait3A_388 = tpu.memref_slice %arg7[%dma_wait3A_386, %dma_wait3A_387] : memref<3328x16xf32, #tpu.memory_space<vmem>> -> memref<128x16xf32, #tpu.memory_space<vmem>>
      %dma_wait3A_389 = arith.constant 2560 : i32
      %dma_wait3A_390 = tpu.memref_slice %arg6[%dma_wait3A_389] : memref<3328xi32, #tpu.memory_space<vmem>> -> memref<128xi32, #tpu.memory_space<vmem>>
      %dma_wait3A_391 = arith.constant 0 : i32
      %dma_wait3A_392 = arith.constant 0 : i32
      %dma_wait3A_393 = tpu.memref_slice %arg4[%dma_wait3A_391, %dma_wait3A_392] : memref<2600000x16xf32, #tpu.memory_space<hbm>> -> memref<2600000x16xf32, #tpu.memory_space<hbm>>
      tpu.wait_indirect_dma semaphore(%arg10 : memref<!tpu.dma_semaphore, #tpu.memory_space<semaphore_mem>>) src(%dma_wait3A_393 : memref<2600000x16xf32, #tpu.memory_space<hbm>>) dst(%dma_wait3A_388 : memref<128x16xf32, #tpu.memory_space<vmem>>)
      %dma_wait3A_394 = arith.constant 2688 : i32
      %dma_wait3A_395 = arith.constant 0 : i32
      %dma_wait3A_396 = tpu.memref_slice %arg7[%dma_wait3A_394, %dma_wait3A_395] : memref<3328x16xf32, #tpu.memory_space<vmem>> -> memref<128x16xf32, #tpu.memory_space<vmem>>
      %dma_wait3A_397 = arith.constant 2688 : i32
      %dma_wait3A_398 = tpu.memref_slice %arg6[%dma_wait3A_397] : memref<3328xi32, #tpu.memory_space<vmem>> -> memref<128xi32, #tpu.memory_space<vmem>>
      %dma_wait3A_399 = arith.constant 0 : i32
      %dma_wait3A_400 = arith.constant 0 : i32
      %dma_wait3A_401 = tpu.memref_slice %arg4[%dma_wait3A_399, %dma_wait3A_400] : memref<2600000x16xf32, #tpu.memory_space<hbm>> -> memref<2600000x16xf32, #tpu.memory_space<hbm>>
      tpu.wait_indirect_dma semaphore(%arg10 : memref<!tpu.dma_semaphore, #tpu.memory_space<semaphore_mem>>) src(%dma_wait3A_401 : memref<2600000x16xf32, #tpu.memory_space<hbm>>) dst(%dma_wait3A_396 : memref<128x16xf32, #tpu.memory_space<vmem>>)
      %dma_wait3A_402 = arith.constant 2816 : i32
      %dma_wait3A_403 = arith.constant 0 : i32
      %dma_wait3A_404 = tpu.memref_slice %arg7[%dma_wait3A_402, %dma_wait3A_403] : memref<3328x16xf32, #tpu.memory_space<vmem>> -> memref<128x16xf32, #tpu.memory_space<vmem>>
      %dma_wait3A_405 = arith.constant 2816 : i32
      %dma_wait3A_406 = tpu.memref_slice %arg6[%dma_wait3A_405] : memref<3328xi32, #tpu.memory_space<vmem>> -> memref<128xi32, #tpu.memory_space<vmem>>
      %dma_wait3A_407 = arith.constant 0 : i32
      %dma_wait3A_408 = arith.constant 0 : i32
      %dma_wait3A_409 = tpu.memref_slice %arg4[%dma_wait3A_407, %dma_wait3A_408] : memref<2600000x16xf32, #tpu.memory_space<hbm>> -> memref<2600000x16xf32, #tpu.memory_space<hbm>>
      tpu.wait_indirect_dma semaphore(%arg10 : memref<!tpu.dma_semaphore, #tpu.memory_space<semaphore_mem>>) src(%dma_wait3A_409 : memref<2600000x16xf32, #tpu.memory_space<hbm>>) dst(%dma_wait3A_404 : memref<128x16xf32, #tpu.memory_space<vmem>>)
      %dma_wait3A_410 = arith.constant 2944 : i32
      %dma_wait3A_411 = arith.constant 0 : i32
      %dma_wait3A_412 = tpu.memref_slice %arg7[%dma_wait3A_410, %dma_wait3A_411] : memref<3328x16xf32, #tpu.memory_space<vmem>> -> memref<128x16xf32, #tpu.memory_space<vmem>>
      %dma_wait3A_413 = arith.constant 2944 : i32
      %dma_wait3A_414 = tpu.memref_slice %arg6[%dma_wait3A_413] : memref<3328xi32, #tpu.memory_space<vmem>> -> memref<128xi32, #tpu.memory_space<vmem>>
      %dma_wait3A_415 = arith.constant 0 : i32
      %dma_wait3A_416 = arith.constant 0 : i32
      %dma_wait3A_417 = tpu.memref_slice %arg4[%dma_wait3A_415, %dma_wait3A_416] : memref<2600000x16xf32, #tpu.memory_space<hbm>> -> memref<2600000x16xf32, #tpu.memory_space<hbm>>
      tpu.wait_indirect_dma semaphore(%arg10 : memref<!tpu.dma_semaphore, #tpu.memory_space<semaphore_mem>>) src(%dma_wait3A_417 : memref<2600000x16xf32, #tpu.memory_space<hbm>>) dst(%dma_wait3A_412 : memref<128x16xf32, #tpu.memory_space<vmem>>)
      %dma_wait3A_418 = arith.constant 3072 : i32
      %dma_wait3A_419 = arith.constant 0 : i32
      %dma_wait3A_420 = tpu.memref_slice %arg7[%dma_wait3A_418, %dma_wait3A_419] : memref<3328x16xf32, #tpu.memory_space<vmem>> -> memref<128x16xf32, #tpu.memory_space<vmem>>
      %dma_wait3A_421 = arith.constant 3072 : i32
      %dma_wait3A_422 = tpu.memref_slice %arg6[%dma_wait3A_421] : memref<3328xi32, #tpu.memory_space<vmem>> -> memref<128xi32, #tpu.memory_space<vmem>>
      %dma_wait3A_423 = arith.constant 0 : i32
      %dma_wait3A_424 = arith.constant 0 : i32
      %dma_wait3A_425 = tpu.memref_slice %arg4[%dma_wait3A_423, %dma_wait3A_424] : memref<2600000x16xf32, #tpu.memory_space<hbm>> -> memref<2600000x16xf32, #tpu.memory_space<hbm>>
      tpu.wait_indirect_dma semaphore(%arg10 : memref<!tpu.dma_semaphore, #tpu.memory_space<semaphore_mem>>) src(%dma_wait3A_425 : memref<2600000x16xf32, #tpu.memory_space<hbm>>) dst(%dma_wait3A_420 : memref<128x16xf32, #tpu.memory_space<vmem>>)
      %dma_wait3A_426 = arith.constant 3200 : i32
      %dma_wait3A_427 = arith.constant 0 : i32
      %dma_wait3A_428 = tpu.memref_slice %arg7[%dma_wait3A_426, %dma_wait3A_427] : memref<3328x16xf32, #tpu.memory_space<vmem>> -> memref<128x16xf32, #tpu.memory_space<vmem>>
      %dma_wait3A_429 = arith.constant 3200 : i32
      %dma_wait3A_430 = tpu.memref_slice %arg6[%dma_wait3A_429] : memref<3328xi32, #tpu.memory_space<vmem>> -> memref<128xi32, #tpu.memory_space<vmem>>
      %dma_wait3A_431 = arith.constant 0 : i32
      %dma_wait3A_432 = arith.constant 0 : i32
      %dma_wait3A_433 = tpu.memref_slice %arg4[%dma_wait3A_431, %dma_wait3A_432] : memref<2600000x16xf32, #tpu.memory_space<hbm>> -> memref<2600000x16xf32, #tpu.memory_space<hbm>>
      tpu.wait_indirect_dma semaphore(%arg10 : memref<!tpu.dma_semaphore, #tpu.memory_space<semaphore_mem>>) src(%dma_wait3A_433 : memref<2600000x16xf32, #tpu.memory_space<hbm>>) dst(%dma_wait3A_428 : memref<128x16xf32, #tpu.memory_space<vmem>>)
      %scan3A_434 = arith.constant 0 : i32
      %scan3A_435 = arith.constant 0 : i32
      %scan3A_436 = arith.constant 128 : i32
      %scan3A_437 = arith.addi %scan3A_435, %scan3A_436 : i32
      %scan3A_438 = arith.constant 1 : i32
      scf.for %scan3A_440 = %scan3A_435 to %scan3A_437 step %scan3A_438  : i32 {
        %mul3A_441 = arith.constant 26 : i32
        %mul3A_442 = arith.muli %scan3A_440, %mul3A_441 : i32
        %get3A = arith.index_cast %scan3A_440 : i32 to index
        %get3A_443 = arith.constant 0 : index
        %get3A_444 = tpu.vector_load %arg8[%get3A, %get3A_443] {strides = array<i32>} : memref<128x16xf32, #tpu.memory_space<vmem>>, vector<1x16xf32>,
        %get3A_445 = vector.shape_cast %get3A_444 : vector<1x16xf32> to vector<16xf32>
        %add3A_446 = arith.constant 0 : i32
        %add3A_447 = arith.addi %mul3A_442, %add3A_446 : i32
        %get3A_448 = arith.index_cast %add3A_447 : i32 to index
        %get3A_449 = arith.constant 0 : index
        %get3A_450 = tpu.vector_load %arg7[%get3A_448, %get3A_449] {strides = array<i32>} : memref<3328x16xf32, #tpu.memory_space<vmem>>, vector<1x16xf32>,
        %get3A_451 = vector.shape_cast %get3A_450 : vector<1x16xf32> to vector<16xf32>
        %add3A_452 = arith.constant 1 : i32
        %add3A_453 = arith.addi %mul3A_442, %add3A_452 : i32
        %get3A_454 = arith.index_cast %add3A_453 : i32 to index
        %get3A_455 = arith.constant 0 : index
        %get3A_456 = tpu.vector_load %arg7[%get3A_454, %get3A_455] {strides = array<i32>} : memref<3328x16xf32, #tpu.memory_space<vmem>>, vector<1x16xf32>,
        %get3A_457 = vector.shape_cast %get3A_456 : vector<1x16xf32> to vector<16xf32>
        %add3A_458 = arith.constant 2 : i32
        %add3A_459 = arith.addi %mul3A_442, %add3A_458 : i32
        %get3A_460 = arith.index_cast %add3A_459 : i32 to index
        %get3A_461 = arith.constant 0 : index
        %get3A_462 = tpu.vector_load %arg7[%get3A_460, %get3A_461] {strides = array<i32>} : memref<3328x16xf32, #tpu.memory_space<vmem>>, vector<1x16xf32>,
        %get3A_463 = vector.shape_cast %get3A_462 : vector<1x16xf32> to vector<16xf32>
        %add3A_464 = arith.constant 3 : i32
        %add3A_465 = arith.addi %mul3A_442, %add3A_464 : i32
        %get3A_466 = arith.index_cast %add3A_465 : i32 to index
        %get3A_467 = arith.constant 0 : index
        %get3A_468 = tpu.vector_load %arg7[%get3A_466, %get3A_467] {strides = array<i32>} : memref<3328x16xf32, #tpu.memory_space<vmem>>, vector<1x16xf32>,
        %get3A_469 = vector.shape_cast %get3A_468 : vector<1x16xf32> to vector<16xf32>
        %add3A_470 = arith.constant 4 : i32
        %add3A_471 = arith.addi %mul3A_442, %add3A_470 : i32
        %get3A_472 = arith.index_cast %add3A_471 : i32 to index
        %get3A_473 = arith.constant 0 : index
        %get3A_474 = tpu.vector_load %arg7[%get3A_472, %get3A_473] {strides = array<i32>} : memref<3328x16xf32, #tpu.memory_space<vmem>>, vector<1x16xf32>,
        %get3A_475 = vector.shape_cast %get3A_474 : vector<1x16xf32> to vector<16xf32>
        %add3A_476 = arith.constant 5 : i32
        %add3A_477 = arith.addi %mul3A_442, %add3A_476 : i32
        %get3A_478 = arith.index_cast %add3A_477 : i32 to index
        %get3A_479 = arith.constant 0 : index
        %get3A_480 = tpu.vector_load %arg7[%get3A_478, %get3A_479] {strides = array<i32>} : memref<3328x16xf32, #tpu.memory_space<vmem>>, vector<1x16xf32>,
        %get3A_481 = vector.shape_cast %get3A_480 : vector<1x16xf32> to vector<16xf32>
        %add3A_482 = arith.constant 6 : i32
        %add3A_483 = arith.addi %mul3A_442, %add3A_482 : i32
        %get3A_484 = arith.index_cast %add3A_483 : i32 to index
        %get3A_485 = arith.constant 0 : index
        %get3A_486 = tpu.vector_load %arg7[%get3A_484, %get3A_485] {strides = array<i32>} : memref<3328x16xf32, #tpu.memory_space<vmem>>, vector<1x16xf32>,
        %get3A_487 = vector.shape_cast %get3A_486 : vector<1x16xf32> to vector<16xf32>
        %add3A_488 = arith.constant 7 : i32
        %add3A_489 = arith.addi %mul3A_442, %add3A_488 : i32
        %get3A_490 = arith.index_cast %add3A_489 : i32 to index
        %get3A_491 = arith.constant 0 : index
        %get3A_492 = tpu.vector_load %arg7[%get3A_490, %get3A_491] {strides = array<i32>} : memref<3328x16xf32, #tpu.memory_space<vmem>>, vector<1x16xf32>,
        %get3A_493 = vector.shape_cast %get3A_492 : vector<1x16xf32> to vector<16xf32>
        %add3A_494 = arith.constant 8 : i32
        %add3A_495 = arith.addi %mul3A_442, %add3A_494 : i32
        %get3A_496 = arith.index_cast %add3A_495 : i32 to index
        %get3A_497 = arith.constant 0 : index
        %get3A_498 = tpu.vector_load %arg7[%get3A_496, %get3A_497] {strides = array<i32>} : memref<3328x16xf32, #tpu.memory_space<vmem>>, vector<1x16xf32>,
        %get3A_499 = vector.shape_cast %get3A_498 : vector<1x16xf32> to vector<16xf32>
        %add3A_500 = arith.constant 9 : i32
        %add3A_501 = arith.addi %mul3A_442, %add3A_500 : i32
        %get3A_502 = arith.index_cast %add3A_501 : i32 to index
        %get3A_503 = arith.constant 0 : index
        %get3A_504 = tpu.vector_load %arg7[%get3A_502, %get3A_503] {strides = array<i32>} : memref<3328x16xf32, #tpu.memory_space<vmem>>, vector<1x16xf32>,
        %get3A_505 = vector.shape_cast %get3A_504 : vector<1x16xf32> to vector<16xf32>
        %add3A_506 = arith.constant 10 : i32
        %add3A_507 = arith.addi %mul3A_442, %add3A_506 : i32
        %get3A_508 = arith.index_cast %add3A_507 : i32 to index
        %get3A_509 = arith.constant 0 : index
        %get3A_510 = tpu.vector_load %arg7[%get3A_508, %get3A_509] {strides = array<i32>} : memref<3328x16xf32, #tpu.memory_space<vmem>>, vector<1x16xf32>,
        %get3A_511 = vector.shape_cast %get3A_510 : vector<1x16xf32> to vector<16xf32>
        %add3A_512 = arith.constant 11 : i32
        %add3A_513 = arith.addi %mul3A_442, %add3A_512 : i32
        %get3A_514 = arith.index_cast %add3A_513 : i32 to index
        %get3A_515 = arith.constant 0 : index
        %get3A_516 = tpu.vector_load %arg7[%get3A_514, %get3A_515] {strides = array<i32>} : memref<3328x16xf32, #tpu.memory_space<vmem>>, vector<1x16xf32>,
        %get3A_517 = vector.shape_cast %get3A_516 : vector<1x16xf32> to vector<16xf32>
        %add3A_518 = arith.constant 12 : i32
        %add3A_519 = arith.addi %mul3A_442, %add3A_518 : i32
        %get3A_520 = arith.index_cast %add3A_519 : i32 to index
        %get3A_521 = arith.constant 0 : index
        %get3A_522 = tpu.vector_load %arg7[%get3A_520, %get3A_521] {strides = array<i32>} : memref<3328x16xf32, #tpu.memory_space<vmem>>, vector<1x16xf32>,
        %get3A_523 = vector.shape_cast %get3A_522 : vector<1x16xf32> to vector<16xf32>
        %add3A_524 = arith.constant 13 : i32
        %add3A_525 = arith.addi %mul3A_442, %add3A_524 : i32
        %get3A_526 = arith.index_cast %add3A_525 : i32 to index
        %get3A_527 = arith.constant 0 : index
        %get3A_528 = tpu.vector_load %arg7[%get3A_526, %get3A_527] {strides = array<i32>} : memref<3328x16xf32, #tpu.memory_space<vmem>>, vector<1x16xf32>,
        %get3A_529 = vector.shape_cast %get3A_528 : vector<1x16xf32> to vector<16xf32>
        %add3A_530 = arith.constant 14 : i32
        %add3A_531 = arith.addi %mul3A_442, %add3A_530 : i32
        %get3A_532 = arith.index_cast %add3A_531 : i32 to index
        %get3A_533 = arith.constant 0 : index
        %get3A_534 = tpu.vector_load %arg7[%get3A_532, %get3A_533] {strides = array<i32>} : memref<3328x16xf32, #tpu.memory_space<vmem>>, vector<1x16xf32>,
        %get3A_535 = vector.shape_cast %get3A_534 : vector<1x16xf32> to vector<16xf32>
        %add3A_536 = arith.constant 15 : i32
        %add3A_537 = arith.addi %mul3A_442, %add3A_536 : i32
        %get3A_538 = arith.index_cast %add3A_537 : i32 to index
        %get3A_539 = arith.constant 0 : index
        %get3A_540 = tpu.vector_load %arg7[%get3A_538, %get3A_539] {strides = array<i32>} : memref<3328x16xf32, #tpu.memory_space<vmem>>, vector<1x16xf32>,
        %get3A_541 = vector.shape_cast %get3A_540 : vector<1x16xf32> to vector<16xf32>
        %add3A_542 = arith.constant 16 : i32
        %add3A_543 = arith.addi %mul3A_442, %add3A_542 : i32
        %get3A_544 = arith.index_cast %add3A_543 : i32 to index
        %get3A_545 = arith.constant 0 : index
        %get3A_546 = tpu.vector_load %arg7[%get3A_544, %get3A_545] {strides = array<i32>} : memref<3328x16xf32, #tpu.memory_space<vmem>>, vector<1x16xf32>,
        %get3A_547 = vector.shape_cast %get3A_546 : vector<1x16xf32> to vector<16xf32>
        %add3A_548 = arith.constant 17 : i32
        %add3A_549 = arith.addi %mul3A_442, %add3A_548 : i32
        %get3A_550 = arith.index_cast %add3A_549 : i32 to index
        %get3A_551 = arith.constant 0 : index
        %get3A_552 = tpu.vector_load %arg7[%get3A_550, %get3A_551] {strides = array<i32>} : memref<3328x16xf32, #tpu.memory_space<vmem>>, vector<1x16xf32>,
        %get3A_553 = vector.shape_cast %get3A_552 : vector<1x16xf32> to vector<16xf32>
        %add3A_554 = arith.constant 18 : i32
        %add3A_555 = arith.addi %mul3A_442, %add3A_554 : i32
        %get3A_556 = arith.index_cast %add3A_555 : i32 to index
        %get3A_557 = arith.constant 0 : index
        %get3A_558 = tpu.vector_load %arg7[%get3A_556, %get3A_557] {strides = array<i32>} : memref<3328x16xf32, #tpu.memory_space<vmem>>, vector<1x16xf32>,
        %get3A_559 = vector.shape_cast %get3A_558 : vector<1x16xf32> to vector<16xf32>
        %add3A_560 = arith.constant 19 : i32
        %add3A_561 = arith.addi %mul3A_442, %add3A_560 : i32
        %get3A_562 = arith.index_cast %add3A_561 : i32 to index
        %get3A_563 = arith.constant 0 : index
        %get3A_564 = tpu.vector_load %arg7[%get3A_562, %get3A_563] {strides = array<i32>} : memref<3328x16xf32, #tpu.memory_space<vmem>>, vector<1x16xf32>,
        %get3A_565 = vector.shape_cast %get3A_564 : vector<1x16xf32> to vector<16xf32>
        %add3A_566 = arith.constant 20 : i32
        %add3A_567 = arith.addi %mul3A_442, %add3A_566 : i32
        %get3A_568 = arith.index_cast %add3A_567 : i32 to index
        %get3A_569 = arith.constant 0 : index
        %get3A_570 = tpu.vector_load %arg7[%get3A_568, %get3A_569] {strides = array<i32>} : memref<3328x16xf32, #tpu.memory_space<vmem>>, vector<1x16xf32>,
        %get3A_571 = vector.shape_cast %get3A_570 : vector<1x16xf32> to vector<16xf32>
        %add3A_572 = arith.constant 21 : i32
        %add3A_573 = arith.addi %mul3A_442, %add3A_572 : i32
        %get3A_574 = arith.index_cast %add3A_573 : i32 to index
        %get3A_575 = arith.constant 0 : index
        %get3A_576 = tpu.vector_load %arg7[%get3A_574, %get3A_575] {strides = array<i32>} : memref<3328x16xf32, #tpu.memory_space<vmem>>, vector<1x16xf32>,
        %get3A_577 = vector.shape_cast %get3A_576 : vector<1x16xf32> to vector<16xf32>
        %add3A_578 = arith.constant 22 : i32
        %add3A_579 = arith.addi %mul3A_442, %add3A_578 : i32
        %get3A_580 = arith.index_cast %add3A_579 : i32 to index
        %get3A_581 = arith.constant 0 : index
        %get3A_582 = tpu.vector_load %arg7[%get3A_580, %get3A_581] {strides = array<i32>} : memref<3328x16xf32, #tpu.memory_space<vmem>>, vector<1x16xf32>,
        %get3A_583 = vector.shape_cast %get3A_582 : vector<1x16xf32> to vector<16xf32>
        %add3A_584 = arith.constant 23 : i32
        %add3A_585 = arith.addi %mul3A_442, %add3A_584 : i32
        %get3A_586 = arith.index_cast %add3A_585 : i32 to index
        %get3A_587 = arith.constant 0 : index
        %get3A_588 = tpu.vector_load %arg7[%get3A_586, %get3A_587] {strides = array<i32>} : memref<3328x16xf32, #tpu.memory_space<vmem>>, vector<1x16xf32>,
        %get3A_589 = vector.shape_cast %get3A_588 : vector<1x16xf32> to vector<16xf32>
        %add3A_590 = arith.constant 24 : i32
        %add3A_591 = arith.addi %mul3A_442, %add3A_590 : i32
        %get3A_592 = arith.index_cast %add3A_591 : i32 to index
        %get3A_593 = arith.constant 0 : index
        %get3A_594 = tpu.vector_load %arg7[%get3A_592, %get3A_593] {strides = array<i32>} : memref<3328x16xf32, #tpu.memory_space<vmem>>, vector<1x16xf32>,
        %get3A_595 = vector.shape_cast %get3A_594 : vector<1x16xf32> to vector<16xf32>
        %add3A_596 = arith.constant 25 : i32
        %add3A_597 = arith.addi %mul3A_442, %add3A_596 : i32
        %get3A_598 = arith.index_cast %add3A_597 : i32 to index
        %get3A_599 = arith.constant 0 : index
        %get3A_600 = tpu.vector_load %arg7[%get3A_598, %get3A_599] {strides = array<i32>} : memref<3328x16xf32, #tpu.memory_space<vmem>>, vector<1x16xf32>,
        %get3A_601 = vector.shape_cast %get3A_600 : vector<1x16xf32> to vector<16xf32>
        %add3A_602 = arith.addf %get3A_445, %get3A_451 : vector<16xf32>
        %add3A_603 = arith.addf %get3A_457, %get3A_463 : vector<16xf32>
        %add3A_604 = arith.addf %get3A_469, %get3A_475 : vector<16xf32>
        %add3A_605 = arith.addf %get3A_481, %get3A_487 : vector<16xf32>
        %add3A_606 = arith.addf %get3A_493, %get3A_499 : vector<16xf32>
        %add3A_607 = arith.addf %get3A_505, %get3A_511 : vector<16xf32>
        %add3A_608 = arith.addf %get3A_517, %get3A_523 : vector<16xf32>
        %add3A_609 = arith.addf %get3A_529, %get3A_535 : vector<16xf32>
        %add3A_610 = arith.addf %get3A_541, %get3A_547 : vector<16xf32>
        %add3A_611 = arith.addf %get3A_553, %get3A_559 : vector<16xf32>
        %add3A_612 = arith.addf %get3A_565, %get3A_571 : vector<16xf32>
        %add3A_613 = arith.addf %get3A_577, %get3A_583 : vector<16xf32>
        %add3A_614 = arith.addf %get3A_589, %get3A_595 : vector<16xf32>
        %add3A_615 = arith.addf %add3A_602, %add3A_603 : vector<16xf32>
        %add3A_616 = arith.addf %add3A_604, %add3A_605 : vector<16xf32>
        %add3A_617 = arith.addf %add3A_606, %add3A_607 : vector<16xf32>
        %add3A_618 = arith.addf %add3A_608, %add3A_609 : vector<16xf32>
        %add3A_619 = arith.addf %add3A_610, %add3A_611 : vector<16xf32>
        %add3A_620 = arith.addf %add3A_612, %add3A_613 : vector<16xf32>
        %add3A_621 = arith.addf %add3A_614, %get3A_601 : vector<16xf32>
        %add3A_622 = arith.addf %add3A_615, %add3A_616 : vector<16xf32>
        %add3A_623 = arith.addf %add3A_617, %add3A_618 : vector<16xf32>
        %add3A_624 = arith.addf %add3A_619, %add3A_620 : vector<16xf32>
        %add3A_625 = arith.addf %add3A_622, %add3A_623 : vector<16xf32>
        %add3A_626 = arith.addf %add3A_624, %add3A_621 : vector<16xf32>
        %add3A_627 = arith.addf %add3A_625, %add3A_626 : vector<16xf32>
        %max3A = arith.constant 0.000000e+00 : f32
        %max3A_628 = vector.broadcast %max3A : f32 to vector<16xf32>
        %max3A_629 = arith.maximumf %add3A_627, %max3A_628 : vector<16xf32>
        %swap3A = arith.index_cast %scan3A_440 : i32 to index
        %swap3A_630 = arith.constant 0 : index
        %swap3A_631 = tpu.vector_load %arg9[%swap3A, %swap3A_630] {strides = array<i32>} : memref<128x16xf32, #tpu.memory_space<vmem>>, vector<1x16xf32>,
        %swap3A_632 = vector.shape_cast %swap3A_631 : vector<1x16xf32> to vector<16xf32>
        %swap3A_633 = vector.shape_cast %max3A_629 : vector<16xf32> to vector<1x16xf32>
        tpu.vector_store %arg9[%swap3A, %swap3A_630], %swap3A_633 {strides = array<i32>} : memref<128x16xf32, #tpu.memory_space<vmem>>, vector<1x16xf32>,
      }
      %scan3A_439 = arith.constant 128 : i32
      "tpu.region"() ({
        %run_scoped3A = tpu.sem_alloc : memref<!tpu.dma_semaphore, #tpu.memory_space<semaphore_mem>>
        %dma_start3A_440 = arith.constant 0 : i32
        %dma_start3A_441 = tpu.memref_slice %arg5[%add3A_11, %dma_start3A_440] : memref<16384x16xf32, #tpu.memory_space<hbm>> -> memref<128x16xf32, #tpu.memory_space<hbm>>
        %dma_start3A_442 = arith.constant 0 : i32
        %dma_start3A_443 = tpu.memref_slice %arg5[%add3A_11, %dma_start3A_442] : memref<16384x16xf32, #tpu.memory_space<hbm>> -> memref<128x16xf32, #tpu.memory_space<hbm>>
        tpu.enqueue_dma source(%arg9 : memref<128x16xf32, #tpu.memory_space<vmem>>) target(%dma_start3A_443 : memref<128x16xf32, #tpu.memory_space<hbm>>) target_semaphore(%run_scoped3A : memref<!tpu.dma_semaphore, #tpu.memory_space<semaphore_mem>>)
        %dma_wait3A_444 = arith.constant 0 : i32
        %dma_wait3A_445 = tpu.memref_slice %arg5[%add3A_11, %dma_wait3A_444] : memref<16384x16xf32, #tpu.memory_space<hbm>> -> memref<128x16xf32, #tpu.memory_space<hbm>>
        %dma_wait3A_446 = arith.constant 0 : i32
        %dma_wait3A_447 = tpu.memref_slice %arg5[%add3A_11, %dma_wait3A_446] : memref<16384x16xf32, #tpu.memory_space<hbm>> -> memref<128x16xf32, #tpu.memory_space<hbm>>
        tpu.wait_dma2 semaphore(%run_scoped3A : memref<!tpu.dma_semaphore, #tpu.memory_space<semaphore_mem>>) src(%arg9 : memref<128x16xf32, #tpu.memory_space<vmem>>) dst(%dma_wait3A_447 : memref<128x16xf32, #tpu.memory_space<hbm>>)
        tpu.yield
      }) : () -> ()
    }
    %scan3A_7 = arith.constant 4 : i32
    return
  }
}

module attributes {stable_mosaic.version = 14 : i64} {
  func.func @_dense_body(%arg0: memref<16384x13xf32, #tpu.memory_space<vmem>>, %arg1: memref<13x16xf32, #tpu.memory_space<vmem>>, %arg2: memref<1x16xf32, #tpu.memory_space<vmem>>, %arg3: memref<1x16xf32, #tpu.memory_space<vmem>>, %arg4: memref<16384x16xf32, #tpu.memory_space<vmem>>) attributes {dimension_semantics = [], scalar_prefetch = 0 : i64, scratch_operands = 0 : i64, tpu.core_type = #tpu.core_type<tc>} {
    %get3A = arith.constant 0 : index
    %get3A_0 = arith.constant 0 : index
    %get3A_1 = vector.load %arg0[%get3A, %get3A_0] : memref<16384x13xf32, #tpu.memory_space<vmem>>, vector<16384x13xf32>
    %get3A_2 = arith.constant 0 : index
    %get3A_3 = arith.constant 0 : index
    %get3A_4 = vector.load %arg1[%get3A_2, %get3A_3] : memref<13x16xf32, #tpu.memory_space<vmem>>, vector<13x16xf32>
    %dot_general3A = arith.constant dense<0.000000e+00> : vector<16384x16xf32>
    %dot_general3A_5 = tpu.matmul %get3A_1, %get3A_4, %dot_general3A {dimension_numbers = #tpu.dot_dimension_numbers<[1], [0], [0], [1], [0, 0, 1, 1], [], []>, transpose_lhs_hint = false} : vector<16384x13xf32>, vector<13x16xf32>, vector<16384x16xf32> -> vector<16384x16xf32>
    %get3A_6 = arith.constant 0 : index
    %get3A_7 = arith.constant 0 : index
    %get3A_8 = vector.load %arg2[%get3A_6, %get3A_7] : memref<1x16xf32, #tpu.memory_space<vmem>>, vector<1x16xf32>
    %add3A = vector.broadcast %get3A_8 : vector<1x16xf32> to vector<16384x16xf32>
    %add3A_9 = arith.addf %dot_general3A_5, %add3A : vector<16384x16xf32>
    %get3A_10 = arith.constant 0 : index
    %get3A_11 = arith.constant 0 : index
    %get3A_12 = vector.load %arg3[%get3A_10, %get3A_11] : memref<1x16xf32, #tpu.memory_space<vmem>>, vector<1x16xf32>
    %add3A_13 = vector.broadcast %get3A_12 : vector<1x16xf32> to vector<16384x16xf32>
    %add3A_14 = arith.addf %add3A_9, %add3A_13 : vector<16384x16xf32>
    %swap3A = arith.constant 0 : index
    %swap3A_15 = arith.constant 0 : index
    %swap3A_16 = vector.load %arg4[%swap3A, %swap3A_15] : memref<16384x16xf32, #tpu.memory_space<vmem>>, vector<16384x16xf32>
    tpu.vector_store %arg4[%swap3A, %swap3A_15], %add3A_14 {strides = array<i32>} : memref<16384x16xf32, #tpu.memory_space<vmem>>, vector<16384x16xf32>,
    return
  }
}

</mosaic_0001>

<sc_bundles>
// kernel: kernel.4.cloned.1.call-start
scs
__scs_entry_jumppad:
0x0: {  	(pc) =	sbr.rel $0x88, $3  }
0x1: {  	(tag) =	ssettag $0x0;
	lr =	simm.s32 $0x1  }
0x2: {  	[smem:$0x3F9B] =	sst lr;
	_ =	strace $0xD0000000  }
0x3: {  	_ = 	snop  }
0x4: {  	_ = 	snop  }
0x5: {  	_ = 	snop  }
0x6: {  	_ = 	snop  }
0x7: {  	_ = 	snop  }
__scs_overlays_trampoline_lowered:
0x8: {  	[smem:$0x3FAA] =	sst s0  }
0x9: {  	[smem:$0x3FAB] =	sst s1  }
0xa: {  	[smem:$0x3FAC] =	sst s2  }
0xb: {  	[smem:$0x3FAD] =	sst s3  }
0xc: {  	[smem:$0x3FAE] =	sst s4  }
0xd: {  	[smem:$0x3FAF] =	sst s5  }
0xe: {  	[smem:$0x3FB0] =	sst s6  }
0xf: {  	[smem:$0x3FB1] =	sst s7  }
0x10: {  	[smem:$0x3FB2] =	sst s8  }
0x11: {  	[smem:$0x3FB3] =	sst s9;
	s0 =	simm.s32 @!p0 $0x0  }
0x12: {  	s1 =	sld [smem:$0x3F99];
	s0 =	simm.s32 @p0 $0x1  }
0x13: {  	[smem:$0x3FB4] =	sst s0;
	s0 =	simm.s32 @!p1 $0x0  }
0x14: {  	s2 =	sld [smem:$0x3F98];
	s0 =	simm.s32 @p1 $0x1  }
0x15: {  	[smem:$0x3FB5] =	sst s0;
	s0 =	simm.s32 @!p2 $0x0  }
0x16: {  	s3 =	sld [smem:$0x3FDB];
	s0 =	simm.s32 @p2 $0x1  }
0x17: {  	s4 =	simm.s32 $0x1BF5;
	[smem:$0x3FB7] =	sst s0  }
0x18: {  	s0 =	sld [smem:$0x3F9A];
	_ =	swait.ge [sflag:s4], $0x0  }
0x19: {  	s7 =	sld [smem:$0x3F9B]  }
0x1a: {  	s8 =	sadd.s32 $0xFFFFE003, lr  }
0x1b: {  	s9 =	sadd.s32 $0xFFFFFEF7, lr;
	s5 =	simm.s32 $0xFFFFFFFF;
	p2 =	slt.u32 s8, $0xFFFFF086  }
0x1c: {  	p1 =	slt.u32 s9, $0xF7A;
	s5 =	simm.s32 @!p2 $0x0  }
0x1d: {  	s5 =	simm.s32 @p1 $0x1;
	p0 =	seq.s32 s7, s2  }
0x1e: {  	s7 =	smul.u32 @!p0 $0xF7A, s2;
	p2 =	seq.s32 @!p0 s5, $0x0  }
0x1f: {  	s9 =	smul.u32 $0xF7A, s1;
	s8 =	simm.s32 @!p0 $0x1BF5;
	p2 =	por !p2, p0  }
0x20: {  	[sflag:s8] =	ssyncset.s32 @!p0 $0xFFFFF086;
	s6 =	sadd.s32 @!p0 s3, s7;
	s7 =	simm.s32 @!p0 $0x108  }
0x21: {  	s3 =	sadd.s32 s3, s9;
	s6 =	sadd.s32 @!p0 $0x88, s6;
	s7 =	simm.s32 @p2 $0x1082  }
0x22: {  	[simem:s7], [sflag:s8] =	dma.local @!p0 [hbm:s6], $0xF7A  }
0x23: {  	s9 =	sor.u32 $0xD0000000, s2;
	s6 =	simm.s32 $0x108;
	_ =	swait.ge @!p0 [sflag:s8], $0x0  }
0x24: {  	s3 =	sadd.s32 $0x88, s3;
	s6 =	simm.s32 @!p1 $0x1082;
	[sflag:s4] =	ssyncset.s32 $0xFFFFF086  }
0x25: {  	[simem:s6], [sflag:s4] =	dma.local [hbm:s3], $0xF7A  }
0x26: {  	[smem:$0x3F9B] =	sst s1;
	(tag) =	ssettag s2;
	_ =	strace s9  }
0x27: {  	s1 =	sld [smem:$0x3FAB]  }
0x28: {  	s2 =	sld [smem:$0x3FAC]  }
0x29: {  	s4 =	sld [smem:$0x3FAE]  }
0x2a: {  	p0 =	seq.s32 s5, $0x0;
	s5 =	sld [smem:$0x3FAF]  }
0x2b: {  	s6 =	sld [smem:$0x3FB0]  }
0x2c: {  	s7 =	sld [smem:$0x3FB1]  }
0x2d: {  	s3 =	simm.s32 $0x108;
	s8 =	sld [smem:$0x3FB2]  }
0x2e: {  	s3 =	simm.s32 @!p0 $0x1082;
	s9 =	sld [smem:$0x3FB3]  }
0x2f: {  	lr =	sadd.s32 s0, s3;
	s0 =	sld [smem:$0x3FAA]  }
0x30: {  	s3 =	sld [smem:$0x3FAD]  }
0x31: {  	[smem:$0x3FB6] =	sst s10  }
0x32: {  	s10 =	sld [smem:$0x3FB4];
	_ =	sdelay $0x3  }
0x33: {  	p0 =	seq.s32 s10, $0x1;
	s10 =	sld [smem:$0x3FB6];
	_ =	sdelay $0x3  }
0x34: {  	[smem:$0x3FB6] =	sst s10  }
0x35: {  	s10 =	sld [smem:$0x3FB5];
	_ =	sdelay $0x3  }
0x36: {  	p1 =	seq.s32 s10, $0x1;
	s10 =	sld [smem:$0x3FB6];
	_ =	sdelay $0x3  }
0x37: {  	[smem:$0x3FB6] =	sst s10  }
0x38: {  	s10 =	sld [smem:$0x3FB7]  }
0x39: {  	_ = 	snop;
	(pc) =	sbr.ind lr, $3  }
0x3a: {  	_ = 	snop  }
0x3b: {  	_ = 	snop  }
0x3c: {  	p2 =	seq.s32 s10, $0x1;
	s10 =	sld [smem:$0x3FB6]  }
0x3d: {  	_ =	shalt  }
0x3e: {  	_ =	shalt  }
0x3f: {  	_ =	shalt  }
0x40: {  	_ =	shalt  }
0x41: {  	_ =	shalt  }
0x42: {  	_ =	shalt  }
0x43: {  	_ =	shalt  }
0x44: {  	_ =	shalt  }
0x45: {  	_ =	shalt  }
0x46: {  	_ =	shalt  }
0x47: {  	_ =	shalt  }
0x48: {  	_ =	shalt  }
0x49: {  	_ =	shalt  }
0x4a: {  	_ =	shalt  }
0x4b: {  	_ =	shalt  }
0x4c: {  	_ =	shalt  }
0x4d: {  	_ =	shalt  }
0x4e: {  	_ =	shalt  }
0x4f: {  	_ =	shalt  }
0x50: {  	_ =	shalt  }
0x51: {  	_ =	shalt  }
0x52: {  	_ =	shalt  }
0x53: {  	_ =	shalt  }
0x54: {  	_ =	shalt  }
0x55: {  	_ =	shalt  }
0x56: {  	_ =	shalt  }
0x57: {  	_ =	shalt  }
0x58: {  	_ =	shalt  }
0x59: {  	_ =	shalt  }
0x5a: {  	_ =	shalt  }
0x5b: {  	_ =	shalt  }
0x5c: {  	_ =	shalt  }
0x5d: {  	_ =	shalt  }
0x5e: {  	_ =	shalt  }
0x5f: {  	_ =	shalt  }
0x60: {  	_ =	shalt  }
0x61: {  	_ =	shalt  }
0x62: {  	_ =	shalt  }
0x63: {  	_ =	shalt  }
0x64: {  	_ =	shalt  }
0x65: {  	_ =	shalt  }
0x66: {  	_ =	shalt  }
0x67: {  	_ =	shalt  }
0x68: {  	_ =	shalt  }
0x69: {  	_ =	shalt  }
0x6a: {  	_ =	shalt  }
0x6b: {  	_ =	shalt  }
0x6c: {  	_ =	shalt  }
0x6d: {  	_ =	shalt  }
0x6e: {  	_ =	shalt  }
0x6f: {  	_ =	shalt  }
0x70: {  	_ =	shalt  }
0x71: {  	_ =	shalt  }
0x72: {  	_ =	shalt  }
0x73: {  	_ =	shalt  }
0x74: {  	_ =	shalt  }
0x75: {  	_ =	shalt  }
0x76: {  	_ =	shalt  }
0x77: {  	_ =	shalt  }
0x78: {  	_ =	shalt  }
0x79: {  	_ =	shalt  }
0x7a: {  	_ =	shalt  }
0x7b: {  	_ =	shalt  }
0x7c: {  	_ =	shalt  }
0x7d: {  	_ =	shalt  }
0x7e: {  	_ =	shalt  }
0x7f: {  	_ =	shalt  }
0x80: {  	_ =	shalt  }
0x81: {  	_ =	shalt  }
0x82: {  	_ =	shalt  }
0x83: {  	_ =	shalt  }
0x84: {  	_ =	shalt  }
0x85: {  	_ =	shalt  }
0x86: {  	_ =	shalt  }
0x87: {  	_ =	shalt  }
.Lfunc_end0:
.L_simem_size_0:
called_computation_lowered:
.L_overlay_start_0:
0x88: {  	s2 =	sld [smem:$0x3FD9]  }
0x89: {  	s3 =	sld [smem:$0x3FFE];
	_ =	sdelay $0x1  }
0x8a: {  	s1 =	srdreg.scid  }
0x8b: {  	s0 =	sand.u32 $0x1, s1  }
0x8c: {  	s17 =	sshll.u32 s0, $0xA;
	s2 =	sadd.s32 s3, s2  }
0x8d: {  	s2 =	sadd.s32 s2, s17  }
0x8e: {  	[smem:$0x3FC2] =	sst s2  }
0x8f: {  	_ = 	snop  }
0x90: {  	s2 =	sld [smem:$0x3FD0];
	(tm) =	ssettm $0x1  }
0x91: {  	s18 =	sld [smem:$0x3FFB];
	_ =	sdelay $0x3  }
0x92: {  	_ =	strace s18  }
0x93: {  	s3 =	sld [smem:$0x3FFC];
	_ =	sdelay $0x3  }
0x94: {  	_ =	strace s3  }
0x95: {  	s3 =	sld [smem:$0x3FFD];
	_ =	sdelay $0x3  }
0x96: {  	_ =	strace s3  }
0x97: {  	_ =	strace $0x8FFFFFFF  }
0x98: {  	s19 =	sld [smem:$0x3FDB];
	_ =	sdelay $0x1  }
0x99: {  	s4 =	simm.s32 $_scs_section_size  }
0x9a: {  	s5 =	simm.s32 $_size__tile_overlayer_lowered;
	s6 =	simm.s32 $_tile_overlayer_lowered  }
0x9b: {  	s22 =	simm.s32 $0x1BFF;
	s21 =	sshll.u32 s6, $0x1;
	s3 =	sadd.s32 s4, s19  }
0x9c: {  	s7 =	simm.s32 $0x0;
	s20 =	sshll.u32 s5, $0x1;
	s5 =	sadd.s32 s21, s3  }
0x9d: {  	[timem:s7], [sflag:s22] =	dma.local [hbm:s5], s20  }
0x9e: {  	_ =	swait.ge [sflag:s22], s20  }
0x9f: {  	s4 =	ssub.s32 $0x0, s20;
	[sflag:s22] =	ssyncset.done $0x0  }
0xa0: {  	[sflag:s22] =	ssyncadd.s32 s4;
	_ =	sdelay $0x1  }
0xa1: {  	s23 =	simm.s32 $0x1B8B  }
0xa2: {  	_ =	swait.ge [sflag:s23], $0x1  }
0xa3: {  	[sflag:s23] =	ssyncset.done $0x0  }
0xa4: {  	s25 =	simm.s32 $0x1B8E;
	s24 =	sld [smem:$0x3FFE];
	[sflag:s23] =	ssyncadd.s32 $0xFFFFFFFF  }
0xa5: {  	s26 =	simm.s32 $execute0_lowered;
	[smem:$0x3FD2] =	sst s25  }
0xa6: {  	s5 =	sshll.u32 s26, $0x1;
	_ =	strace $0x80000046;
	[dreg:$0x1] =	wrdreg $0xFFFFFFFF  }
0xa7: {  	s28 =	simm.s32 $_size_execute0_lowered;
	s3 =	sadd.s32 s3, s5;
	[dreg:$0x0] =	wrdreg $0x0  }
0xa8: {  	s5 =	sshll.u32 s28, $0x1;
	[dreg:$0x2] =	wrdreg s3  }
0xa9: {  	[dreg:$0x3] =	wrdreg s5  }
0xaa: {  	[dreg:$0x4] =	wrdreg $0xC0  }
0xab: {  	_ =	task [dreg:s7], $0x5FFFF  }
0xac: {  	[dreg:$0x1] =	wrdreg $0xFFFFFFFF  }
0xad: {  	[dreg:$0x0] =	wrdreg $0x60  }
0xae: {  	[dreg:$0x2] =	wrdreg s24  }
0xaf: {  	[dreg:$0x3] =	wrdreg s2  }
0xb0: {  	[dreg:$0x4] =	wrdreg $0x9  }
0xb1: {  	_ =	task.clear_ibuf [dreg:s7], $0x5FFFF;
	_ =	strace $0x90000046  }
0xb2: {  	s29 =	simm.s32 $0x9;
	_ =	strace $0x80000048  }
0xb3: {  	_ =	swait.ge [sflag:s29], $0x1  }
0xb4: {  	[sflag:s29] =	ssyncadd.s32 $0xFFFFFFFF  }
0xb5: {  	_ =	strace $0x90000048  }
0xb6: {  	_ =	sfence  }
0xb7: {  	s30 =	sld [smem:$0x0];
	_ =	sdelay $0x2  }
0xb8: {  	s31 =	sshll.u32 s1, $0xD;
	s1 =	sshrl.u32 s1, $0x2  }
0xb9: {  	s3 =	sand.u32 $0x4000, s31;
	s1 =	sadd.s32 s1, s30  }
0xba: {  	s0 =	sor.u32 s3, s0;
	s1 =	sshll.u32 s1, $0x11  }
0xbb: {  	s0 =	sor.u32 s1, s0  }
0xbc: {  	s0 =	sadd.s32 $0x8F2B, s0  }
0xbd: {  	[sflag:s0] =	ssyncadd.remote.s32 $0x1  }
0xbe: {  	_ =	sfence.sel $0xFFFF  }
0xbf: {  	[dreg:$0x0] =	wrdreg $0xFFFFFFFF;
	(pc) =	sbr.abs _section_cstart, $3  }
0xc0: {  	[dreg:$0x1] =	wrdreg $0xFFFFFFFF  }
0xc1: {  	_ =	task.clear_ibuf [dreg:s7], $0x2FFFF;
	_ =	strace $0x9FFFFFFF  }
0xc2: {  	(tm) =	ssettm $0x7FFFFFFF  }
0xc3: {  	_ =	shalt  }
tec
execute0_lowered:
.L_overlay_start_1:
0x0: {  	(tag) =	ssettag $0x1  }
0x1: {  	s0 =	rddreg [dreg:$0x0];
	s1 =	simm.s32 $0x0  }
0x2: {  	s25 =	srdreg.scid;
	s6 =	stileid.u32;
	s9 =	simm.s32 $0x2  }
0x3: {  	s11 =	simm.s32 $0x80;
	s19 =	simm.s32 $0x880;
	s20 =	simm.s32 $0x9500  }
0x4: {  	s21 =	simm.s32 $0x900;
	s22 =	simm.s32 $0x9D00;
	s23 =	simm.s32 $0x980  }
0x5: {  	s24 =	simm.s32 $0xA500;
	s28 =	simm.s32 $0xA80;
	s29 =	simm.s32 $0xB500  }
0x6: {  	s30 =	simm.s32 $0xB00;
	s31 =	simm.s32 $0xBD00;
	s8 =	simm.s32 $0xC00  }
0x7: {  	s10 =	simm.s32 $0xD500;
	s12 =	simm.s32 $0x1;
	s13 =	simm.s32 $0xE500  }
0x8: {  	s15 =	simm.s32 $0x0;
	[smem:$0x7FF] =	sst s1;
	s4 =	sadd.s32 $0xE00, s0  }
0x9: {  	s1 =	sand.u32 $0x1, s25;
	s5 =	sadd.s32 $0x27AD200, s0;
	s7 =	sshll.u32 s6, $0xA  }
0xa: {  	s6 =	sadd.s32 $0xDE00, s0;
	s25 =	simm.s32 $0xA00;
	s2 =	ssub.s32 $0x2, s1  }
0xb: {  	_ =	strace $0x80000047;
	s1 =	sshll.u32 s1, $0x9;
	s3 =	sshrl.u32 s2, $0x1  }
0xc: {  	s7 =	sor.u32 s1, s7;
	s1 =	simm.s32 $0xCD00;
	s26 =	ssub.s32 s2, s3  }
0xd: {  	s3 =	simm.s32 $0xC500;
	s2 =	simm.s32 $0xC80;
	s0 =	smax.u32 s26, $0x1  }
0xe: {  	v0 =	vlaneseq.u32;
	s26 =	simm.s32 $0xAD00;
	[dreg:$0x3] =	wrdreg s0;
	s0 =	simm.s32 $0xB80  }
.LBB2_1:
0xf: {  	[dreg:$0x4] =	wrdreg s15;
	s14 =	simm.s32 $0x0  }
.LBB2_2:
0x10: {  	s15 =	sshll.u32 s14, $0x7  }
0x11: {  	s15 =	sadd.s32 s7, s15  }
0x12: {  	s16 =	smul.u32 $0x1A, s15;
	_ =	sdelay $0x1  }
0x13: {  	s16 =	sshrl.u32 s16, $0x3  }
0x14: {  	s17 =	sadd.s32 s4, s16;
	s16 =	simm.s32 $0x0  }
0x15: {  	[tilespmem:s16], [sflag:$0x2] =	stream.linear.gather [hbm4b:s17+s16], $0xD00, $0x38;
	[tilespmem:$0xED00] =	vst v63  }
0x16: {  	_ =	swait.ge [sflag:s9], $0xD00  }
0x17: {  	[sflag:s9] =	ssyncset.done $0x0  }
0x18: {  	[sflag:s9] =	ssyncadd.s32 $0xFFFFF300  }
0x19: {  	s15 =	sshll.u32 s15, $0x1;
	v1 =	vor.u32 s16, v0;
	s18 =	rddreg [dreg:$0x1]  }
0x1a: {  	v2 =	vmulhi.u32 $0x4EC4EC4F, v1;
	s17 =	sadd.s32 s18, s15;
	s18 =	simm.s32 $0xDD00  }
0x1b: {  	[tilespmem:s18], [sflag:$0x2] =	stream.linear.gather [hbm4b:s17+s16], $0x800, $0x38;
	[tilespmem:$0xED00] =	vst v63  }
0x1c: {  	v2 =	vshrl.u32 v2, $0x3;
	_ =	swait.ge [sflag:s9], $0x800  }
0x1d: {  	v2 =	vmul.u32 $0x1A, v2;
	[sflag:s9] =	ssyncset.done $0x0  }
0x1e: {  	[sflag:s9] =	ssyncadd.s32 $0xFFFFF800  }
0x1f: {  	v3 =	vsub.s32 v1, v2;
	v2 =	vld [tilespmem:s16+$0x0];
	_ =	sdelay $0x1  }
0x20: {  	s18 =	simm.s32 $0x10  }
0x21: {  	s17 =	simm.s32 $0x20;
	v1 =	vor.u32 s18, v0;
	v3 =	vmul.u32 $0x186A0, v3  }
.LBB2_3:
0x22: {  	p0 =	sne.s32 s17, $0xCF0;
	v4 =	vmulhi.u32 $0x4EC4EC4F, v1  }
0x23: {  	v2 =	vadd.s32 v3, v2  }
.Ltmp0:
0x24: {  	v3 =	vshrl.u32 v4, $0x3;
	[tilespmem:s16+$0x0] =	vst v2;
	s16 =	sadd.s32 $0x10, s16;
	(pc) =	sbr.rel @p0 .LBB2_3-.Ltmp0, $3  }
0x25: {  	v3 =	vmul.u32 $0x1A, v3;
	v2 =	vld [tilespmem:s16+$0x0];
	_ =	sdelay $0x1  }
0x26: {  	v3 =	vsub.s32 v1, v3  }
0x27: {  	v1 =	vor.u32 s17, v0;
	s17 =	sadd.s32 $0x10, s17;
	v3 =	vmul.u32 $0x186A0, v3  }
0x28: {  	v4 =	vmulhi.u32 $0x4EC4EC4F, v1  }
0x29: {  	v2 =	vadd.s32 v3, v2  }
0x2a: {  	s17 =	sadd.s32 $0x10, s16;
	v3 =	vshrl.u32 v4, $0x3;
	[tilespmem:s16+$0x0] =	vst v2  }
0x2b: {  	v2 =	vmul.u32 $0x1A, v3;
	v3 =	vld [tilespmem:s17+$0x0];
	_ =	sdelay $0x1  }
0x2c: {  	v1 =	vsub.s32 v1, v2  }
0x2d: {  	v1 =	vmul.u32 $0x186A0, v1;
	_ =	sdelay $0x1  }
0x2e: {  	v1 =	vadd.s32 v1, v3  }
0x2f: {  	s18 =	simm.s32 $0x0;
	[tilespmem:s17+$0x0] =	vst v1;
	s17 =	simm.s32 $0xD00  }
0x30: {  	[tilespmem:s17], [sflag:$0x1] =	stream.indirect.gather [hbm4b:s5+s11], $0x10, s18, s11, $0xb8;
	[tilespmem:$0xED00] =	vst v63  }
0x31: {  	s18 =	simm.s32 $0x1500  }
0x32: {  	[tilespmem:s18], [sflag:$0x1] =	stream.indirect.gather [hbm4b:s5+s11], $0x10, s11, s11, $0xb8;
	[tilespmem:$0xED00] =	vst v63  }
0x33: {  	s17 =	simm.s32 $0x100;
	s18 =	simm.s32 $0x1D00  }
0x34: {  	[tilespmem:s18], [sflag:$0x1] =	stream.indirect.gather [hbm4b:s5+s11], $0x10, s17, s11, $0xb8;
	[tilespmem:$0xED00] =	vst v63  }
0x35: {  	s17 =	simm.s32 $0x180;
	s18 =	simm.s32 $0x2500  }
0x36: {  	[tilespmem:s18], [sflag:$0x1] =	stream.indirect.gather [hbm4b:s5+s11], $0x10, s17, s11, $0xb8;
	[tilespmem:$0xED00] =	vst v63  }
0x37: {  	s17 =	simm.s32 $0x200;
	s18 =	simm.s32 $0x2D00  }
0x38: {  	[tilespmem:s18], [sflag:$0x1] =	stream.indirect.gather [hbm4b:s5+s11], $0x10, s17, s11, $0xb8;
	[tilespmem:$0xED00] =	vst v63  }
0x39: {  	s17 =	simm.s32 $0x280;
	s18 =	simm.s32 $0x3500  }
0x3a: {  	[tilespmem:s18], [sflag:$0x1] =	stream.indirect.gather [hbm4b:s5+s11], $0x10, s17, s11, $0xb8;
	[tilespmem:$0xED00] =	vst v63  }
0x3b: {  	s17 =	simm.s32 $0x300;
	s18 =	simm.s32 $0x3D00  }
0x3c: {  	[tilespmem:s18], [sflag:$0x1] =	stream.indirect.gather [hbm4b:s5+s11], $0x10, s17, s11, $0xb8;
	[tilespmem:$0xED00] =	vst v63  }
0x3d: {  	s17 =	simm.s32 $0x380;
	s18 =	simm.s32 $0x4500  }
0x3e: {  	[tilespmem:s18], [sflag:$0x1] =	stream.indirect.gather [hbm4b:s5+s11], $0x10, s17, s11, $0xb8;
	[tilespmem:$0xED00] =	vst v63  }
0x3f: {  	s17 =	simm.s32 $0x400;
	s18 =	simm.s32 $0x4D00  }
0x40: {  	[tilespmem:s18], [sflag:$0x1] =	stream.indirect.gather [hbm4b:s5+s11], $0x10, s17, s11, $0xb8;
	[tilespmem:$0xED00] =	vst v63  }
0x41: {  	s17 =	simm.s32 $0x480;
	s18 =	simm.s32 $0x5500  }
0x42: {  	[tilespmem:s18], [sflag:$0x1] =	stream.indirect.gather [hbm4b:s5+s11], $0x10, s17, s11, $0xb8;
	[tilespmem:$0xED00] =	vst v63  }
0x43: {  	s17 =	simm.s32 $0x500;
	s18 =	simm.s32 $0x5D00  }
0x44: {  	[tilespmem:s18], [sflag:$0x1] =	stream.indirect.gather [hbm4b:s5+s11], $0x10, s17, s11, $0xb8;
	[tilespmem:$0xED00] =	vst v63  }
0x45: {  	s17 =	simm.s32 $0x580;
	s18 =	simm.s32 $0x6500  }
0x46: {  	[tilespmem:s18], [sflag:$0x1] =	stream.indirect.gather [hbm4b:s5+s11], $0x10, s17, s11, $0xb8;
	[tilespmem:$0xED00] =	vst v63  }
0x47: {  	s17 =	simm.s32 $0x600;
	s18 =	simm.s32 $0x6D00  }
0x48: {  	[tilespmem:s18], [sflag:$0x1] =	stream.indirect.gather [hbm4b:s5+s11], $0x10, s17, s11, $0xb8;
	[tilespmem:$0xED00] =	vst v63  }
0x49: {  	s17 =	simm.s32 $0x680;
	s18 =	simm.s32 $0x7500  }
0x4a: {  	[tilespmem:s18], [sflag:$0x1] =	stream.indirect.gather [hbm4b:s5+s11], $0x10, s17, s11, $0xb8;
	[tilespmem:$0xED00] =	vst v63  }
0x4b: {  	s17 =	simm.s32 $0x700;
	s18 =	simm.s32 $0x7D00  }
0x4c: {  	[tilespmem:s18], [sflag:$0x1] =	stream.indirect.gather [hbm4b:s5+s11], $0x10, s17, s11, $0xb8;
	[tilespmem:$0xED00] =	vst v63  }
0x4d: {  	s17 =	simm.s32 $0x780;
	s18 =	simm.s32 $0x8500  }
0x4e: {  	[tilespmem:s18], [sflag:$0x1] =	stream.indirect.gather [hbm4b:s5+s11], $0x10, s17, s11, $0xb8;
	[tilespmem:$0xED00] =	vst v63  }
0x4f: {  	s17 =	simm.s32 $0x800;
	s18 =	simm.s32 $0x8D00  }
0x50: {  	[tilespmem:s18], [sflag:$0x1] =	stream.indirect.gather [hbm4b:s5+s11], $0x10, s17, s11, $0xb8;
	[tilespmem:$0xED00] =	vst v63  }
0x51: {  	_ = 	snop  }
0x52: {  	[tilespmem:s20], [sflag:$0x1] =	stream.indirect.gather [hbm4b:s5+s11], $0x10, s19, s11, $0xb8;
	[tilespmem:$0xED00] =	vst v63  }
0x53: {  	_ = 	snop  }
0x54: {  	[tilespmem:s22], [sflag:$0x1] =	stream.indirect.gather [hbm4b:s5+s11], $0x10, s21, s11, $0xb8;
	[tilespmem:$0xED00] =	vst v63  }
0x55: {  	_ = 	snop  }
0x56: {  	[tilespmem:s24], [sflag:$0x1] =	stream.indirect.gather [hbm4b:s5+s11], $0x10, s23, s11, $0xb8;
	[tilespmem:$0xED00] =	vst v63  }
0x57: {  	_ = 	snop  }
0x58: {  	[tilespmem:s26], [sflag:$0x1] =	stream.indirect.gather [hbm4b:s5+s11], $0x10, s25, s11, $0xb8;
	[tilespmem:$0xED00] =	vst v63  }
0x59: {  	_ = 	snop  }
0x5a: {  	[tilespmem:s29], [sflag:$0x1] =	stream.indirect.gather [hbm4b:s5+s11], $0x10, s28, s11, $0xb8;
	[tilespmem:$0xED00] =	vst v63  }
0x5b: {  	_ = 	snop  }
0x5c: {  	[tilespmem:s31], [sflag:$0x1] =	stream.indirect.gather [hbm4b:s5+s11], $0x10, s30, s11, $0xb8;
	[tilespmem:$0xED00] =	vst v63  }
0x5d: {  	_ = 	snop  }
0x5e: {  	[tilespmem:s3], [sflag:$0x1] =	stream.indirect.gather [hbm4b:s5+s11], $0x10, s0, s11, $0xb8;
	[tilespmem:$0xED00] =	vst v63  }
0x5f: {  	_ = 	snop  }
0x60: {  	[tilespmem:s1], [sflag:$0x1] =	stream.indirect.gather [hbm4b:s5+s11], $0x10, s8, s11, $0xb8;
	[tilespmem:$0xED00] =	vst v63  }
0x61: {  	_ = 	snop  }
0x62: {  	[tilespmem:s10], [sflag:$0x1] =	stream.indirect.gather [hbm4b:s5+s11], $0x10, s2, s11, $0xb8;
	[tilespmem:$0xED00] =	vst v63  }
0x63: {  	_ =	swait.ge [sflag:s12], $0x800  }
0x64: {  	[sflag:s12] =	ssyncset.done $0x0  }
0x65: {  	[sflag:s12] =	ssyncadd.s32 $0xFFFFF800  }
0x66: {  	_ =	swait.ge [sflag:s12], $0x800  }
0x67: {  	[sflag:s12] =	ssyncset.done $0x0  }
0x68: {  	[sflag:s12] =	ssyncadd.s32 $0xFFFFF800  }
0x69: {  	_ =	swait.ge [sflag:s12], $0x800  }
0x6a: {  	[sflag:s12] =	ssyncset.done $0x0  }
0x6b: {  	[sflag:s12] =	ssyncadd.s32 $0xFFFFF800  }
0x6c: {  	_ =	swait.ge [sflag:s12], $0x800  }
0x6d: {  	[sflag:s12] =	ssyncset.done $0x0  }
0x6e: {  	[sflag:s12] =	ssyncadd.s32 $0xFFFFF800  }
0x6f: {  	_ =	swait.ge [sflag:s12], $0x800  }
0x70: {  	[sflag:s12] =	ssyncset.done $0x0  }
0x71: {  	[sflag:s12] =	ssyncadd.s32 $0xFFFFF800  }
0x72: {  	_ =	swait.ge [sflag:s12], $0x800  }
0x73: {  	[sflag:s12] =	ssyncset.done $0x0  }
0x74: {  	[sflag:s12] =	ssyncadd.s32 $0xFFFFF800  }
0x75: {  	_ =	swait.ge [sflag:s12], $0x800  }
0x76: {  	[sflag:s12] =	ssyncset.done $0x0  }
0x77: {  	[sflag:s12] =	ssyncadd.s32 $0xFFFFF800  }
0x78: {  	_ =	swait.ge [sflag:s12], $0x800  }
0x79: {  	[sflag:s12] =	ssyncset.done $0x0  }
0x7a: {  	[sflag:s12] =	ssyncadd.s32 $0xFFFFF800  }
0x7b: {  	_ =	swait.ge [sflag:s12], $0x800  }
0x7c: {  	[sflag:s12] =	ssyncset.done $0x0  }
0x7d: {  	[sflag:s12] =	ssyncadd.s32 $0xFFFFF800  }
0x7e: {  	_ =	swait.ge [sflag:s12], $0x800  }
0x7f: {  	[sflag:s12] =	ssyncset.done $0x0  }
0x80: {  	[sflag:s12] =	ssyncadd.s32 $0xFFFFF800  }
0x81: {  	_ =	swait.ge [sflag:s12], $0x800  }
0x82: {  	[sflag:s12] =	ssyncset.done $0x0  }
0x83: {  	[sflag:s12] =	ssyncadd.s32 $0xFFFFF800  }
0x84: {  	_ =	swait.ge [sflag:s12], $0x800  }
0x85: {  	[sflag:s12] =	ssyncset.done $0x0  }
0x86: {  	[sflag:s12] =	ssyncadd.s32 $0xFFFFF800  }
0x87: {  	_ =	swait.ge [sflag:s12], $0x800  }
0x88: {  	[sflag:s12] =	ssyncset.done $0x0  }
0x89: {  	[sflag:s12] =	ssyncadd.s32 $0xFFFFF800  }
0x8a: {  	_ =	swait.ge [sflag:s12], $0x800  }
0x8b: {  	[sflag:s12] =	ssyncset.done $0x0  }
0x8c: {  	[sflag:s12] =	ssyncadd.s32 $0xFFFFF800  }
0x8d: {  	_ =	swait.ge [sflag:s12], $0x800  }
0x8e: {  	[sflag:s12] =	ssyncset.done $0x0  }
0x8f: {  	[sflag:s12] =	ssyncadd.s32 $0xFFFFF800  }
0x90: {  	_ =	swait.ge [sflag:s12], $0x800  }
0x91: {  	[sflag:s12] =	ssyncset.done $0x0  }
0x92: {  	[sflag:s12] =	ssyncadd.s32 $0xFFFFF800  }
0x93: {  	_ =	swait.ge [sflag:s12], $0x800  }
0x94: {  	[sflag:s12] =	ssyncset.done $0x0  }
0x95: {  	[sflag:s12] =	ssyncadd.s32 $0xFFFFF800  }
0x96: {  	_ =	swait.ge [sflag:s12], $0x800  }
0x97: {  	[sflag:s12] =	ssyncset.done $0x0  }
0x98: {  	[sflag:s12] =	ssyncadd.s32 $0xFFFFF800  }
0x99: {  	_ =	swait.ge [sflag:s12], $0x800  }
0x9a: {  	[sflag:s12] =	ssyncset.done $0x0  }
0x9b: {  	[sflag:s12] =	ssyncadd.s32 $0xFFFFF800  }
0x9c: {  	_ =	swait.ge [sflag:s12], $0x800  }
0x9d: {  	[sflag:s12] =	ssyncset.done $0x0  }
0x9e: {  	[sflag:s12] =	ssyncadd.s32 $0xFFFFF800  }
0x9f: {  	_ =	swait.ge [sflag:s12], $0x800  }
0xa0: {  	[sflag:s12] =	ssyncset.done $0x0  }
0xa1: {  	[sflag:s12] =	ssyncadd.s32 $0xFFFFF800  }
0xa2: {  	_ =	swait.ge [sflag:s12], $0x800  }
0xa3: {  	[sflag:s12] =	ssyncset.done $0x0  }
0xa4: {  	[sflag:s12] =	ssyncadd.s32 $0xFFFFF800  }
0xa5: {  	_ =	swait.ge [sflag:s12], $0x800  }
0xa6: {  	[sflag:s12] =	ssyncset.done $0x0  }
0xa7: {  	[sflag:s12] =	ssyncadd.s32 $0xFFFFF800  }
0xa8: {  	_ =	swait.ge [sflag:s12], $0x800  }
0xa9: {  	[sflag:s12] =	ssyncset.done $0x0  }
0xaa: {  	[sflag:s12] =	ssyncadd.s32 $0xFFFFF800  }
0xab: {  	_ =	swait.ge [sflag:s12], $0x800  }
0xac: {  	[sflag:s12] =	ssyncset.done $0x0  }
0xad: {  	[sflag:s12] =	ssyncadd.s32 $0xFFFFF800  }
0xae: {  	_ =	swait.ge [sflag:s12], $0x800  }
0xaf: {  	[sflag:s12] =	ssyncset.done $0x0  }
0xb0: {  	s16 =	simm.s32 $0xDD0;
	[sflag:s12] =	ssyncadd.s32 $0xFFFFF800  }
0xb1: {  	v1 =	vld [tilespmem:s16+$0x90]  }
0xb2: {  	v2 =	vld [tilespmem:s16+$0x80]  }
0xb3: {  	v3 =	vld [tilespmem:s16+$0x70]  }
0xb4: {  	v48 =	vld [tilespmem:s16+$0x60]  }
0xb5: {  	v5 =	vld [tilespmem:s16+$0x50]  }
0xb6: {  	v6 =	vld [tilespmem:s16+$0x40]  }
0xb7: {  	v7 =	vld [tilespmem:s16+$0x30]  }
0xb8: {  	v8 =	vld [tilespmem:s16+$0x20]  }
0xb9: {  	v9 =	vld [tilespmem:s16+$0x10]  }
0xba: {  	v10 =	vld [tilespmem:s16+$0x0]  }
0xbb: {  	v11 =	vld [tilespmem:s16+$0xFFFFFFF0]  }
0xbc: {  	v12 =	vld [tilespmem:s16+$0xFFFFFFE0]  }
0xbd: {  	v13 =	vld [tilespmem:s16+$0xFFFFFFD0]  }
0xbe: {  	v14 =	vld [tilespmem:s16+$0xFFFFFFC0]  }
0xbf: {  	v15 =	vld [tilespmem:s16+$0xFFFFFFB0]  }
0xc0: {  	v16 =	vld [tilespmem:s16+$0xFFFFFFA0]  }
0xc1: {  	v17 =	vld [tilespmem:s16+$0xFFFFFF90]  }
0xc2: {  	v18 =	vld [tilespmem:s16+$0xFFFFFF80]  }
0xc3: {  	v19 =	vld [tilespmem:s16+$0xFFFFFF70]  }
0xc4: {  	v20 =	vld [tilespmem:s16+$0xFFFFFF60]  }
0xc5: {  	s18 =	simm.s32 $0x0;
	v50 =	vld [tilespmem:s16+$0xFFFFFF30]  }
0xc6: {  	v51 =	vld [tilespmem:s18+$0xDD00]  }
0xc7: {  	v54 =	vld [tilespmem:s16+$0xB0]  }
0xc8: {  	v56 =	vld [tilespmem:s16+$0xA0];
	v3 =	vadd.f32 v3, v48  }
0xc9: {  	v21 =	vld [tilespmem:s16+$0xFFFFFF50];
	v1 =	vadd.f32 v1, v2;
	v49 =	vadd.f32 v5, v6  }
0xca: {  	v2 =	vld [tilespmem:s16+$0xFFFFFF40];
	v52 =	vadd.f32 v9, v10;
	v53 =	vadd.f32 v11, v12  }
0xcb: {  	v55 =	vadd.f32 v13, v14;
	v57 =	vadd.f32 v15, v16  }
0xcc: {  	v58 =	vadd.f32 v17, v18;
	v59 =	vadd.f32 v19, v20  }
0xcd: {  	v60 =	vld [tilespmem:s16+$0xC0];
	v5 =	vadd.f32 v50, v51;
	v62 =	vadd.f32 v54, v56  }
0xce: {  	v1 =	vadd.f32 v1, v3;
	v3 =	vadd.f32 v7, v8  }
0xcf: {  	v7 =	vadd.f32 v52, v53;
	v2 =	vadd.f32 v21, v2  }
0xd0: {  	v4 =	vadd.f32 v55, v57;
	v3 =	vadd.f32 v49, v3  }
0xd1: {  	v61 =	vadd.f32 v58, v59;
	v2 =	vadd.f32 v2, v5  }
0xd2: {  	v63 =	vadd.f32 v60, v62;
	v1 =	vadd.f32 v1, v3  }
0xd3: {  	v3 =	vadd.f32 v7, v4;
	v2 =	vadd.f32 v61, v2;
	_ =	sdelay $0x1  }
0xd4: {  	v1 =	vadd.f32 v63, v1;
	v2 =	vadd.f32 v3, v2;
	_ =	sdelay $0x1  }
0xd5: {  	v1 =	vadd.f32 v1, v2;
	_ =	sdelay $0x1  }
0xd6: {  	s17 =	simm.s32 $0x40;
	v1 =	vmax.f32 v1, $0.0e+00  }
.LBB2_5:
0xd7: {  	p0 =	sne.s32 s17, $0x1FC0  }
0xd8: {  	[tilespmem:s18+$0xE500] =	vst v1;
	s16 =	sadd.s32 $0x1A0, s16;
	s18 =	smov.u32 s17;
	s17 =	sadd.s32 $0x40, s17  }
0xd9: {  	v1 =	vld [tilespmem:s16+$0x90]  }
0xda: {  	v2 =	vld [tilespmem:s16+$0x80]  }
0xdb: {  	v3 =	vld [tilespmem:s16+$0x70]  }
0xdc: {  	v4 =	vld [tilespmem:s16+$0x60]  }
0xdd: {  	v5 =	vld [tilespmem:s16+$0x50]  }
0xde: {  	v6 =	vld [tilespmem:s16+$0x40]  }
0xdf: {  	v7 =	vld [tilespmem:s16+$0x30]  }
0xe0: {  	v8 =	vld [tilespmem:s16+$0x20]  }
0xe1: {  	v1 =	vadd.f32 v1, v2;
	v9 =	vld [tilespmem:s16+$0x10];
	v3 =	vadd.f32 v3, v4  }
0xe2: {  	v2 =	vld [tilespmem:s16+$0x0]  }
0xe3: {  	v4 =	vld [tilespmem:s16+$0xFFFFFFF0];
	v5 =	vadd.f32 v5, v6;
	v1 =	vadd.f32 v1, v3  }
0xe4: {  	v3 =	vld [tilespmem:s16+$0xFFFFFFE0]  }
0xe5: {  	v6 =	vld [tilespmem:s16+$0xFFFFFFD0];
	v7 =	vadd.f32 v7, v8  }
0xe6: {  	v8 =	vld [tilespmem:s16+$0xFFFFFFC0]  }
0xe7: {  	v10 =	vld [tilespmem:s16+$0xFFFFFFB0];
	v2 =	vadd.f32 v9, v2;
	v5 =	vadd.f32 v5, v7  }
0xe8: {  	v7 =	vld [tilespmem:s16+$0xFFFFFFA0]  }
0xe9: {  	v9 =	vld [tilespmem:s16+$0xFFFFFF90];
	v3 =	vadd.f32 v4, v3;
	v1 =	vadd.f32 v1, v5  }
0xea: {  	v4 =	vld [tilespmem:s16+$0xFFFFFF80]  }
0xeb: {  	v5 =	vld [tilespmem:s16+$0xFFFFFF70];
	v6 =	vadd.f32 v6, v8;
	v2 =	vadd.f32 v2, v3  }
0xec: {  	v3 =	vld [tilespmem:s16+$0xFFFFFF60]  }
0xed: {  	v8 =	vld [tilespmem:s16+$0xFFFFFF50];
	v7 =	vadd.f32 v10, v7  }
0xee: {  	v10 =	vld [tilespmem:s16+$0xFFFFFF40]  }
0xef: {  	s18 =	sshra.s32 s18, $0x2;
	v11 =	vld [tilespmem:s16+$0xFFFFFF30];
	v4 =	vadd.f32 v9, v4;
	v6 =	vadd.f32 v6, v7  }
0xf0: {  	v7 =	vld [tilespmem:s18+$0xDD00]  }
0xf1: {  	v9 =	vld [tilespmem:s16+$0xB0];
	v3 =	vadd.f32 v5, v3  }
0xf2: {  	v5 =	vld [tilespmem:s16+$0xA0]  }
0xf3: {  	v8 =	vadd.f32 v8, v10;
	v3 =	vadd.f32 v4, v3  }
0xf4: {  	v4 =	vld [tilespmem:s16+$0xC0]  }
0xf5: {  	v7 =	vadd.f32 v11, v7;
	_ =	sdelay $0x1  }
0xf6: {  	v5 =	vadd.f32 v9, v5;
	v7 =	vadd.f32 v8, v7  }
0xf7: {  	v2 =	vadd.f32 v2, v6  }
0xf8: {  	v4 =	vadd.f32 v4, v5;
	v3 =	vadd.f32 v3, v7;
	_ =	sdelay $0x1  }
.Ltmp1:
0xf9: {  	v2 =	vadd.f32 v2, v3;
	v1 =	vadd.f32 v4, v1;
	(pc) =	sbr.rel @p0 .LBB2_5-.Ltmp1, $3  }
0xfa: {  	_ = 	snop  }
0xfb: {  	v1 =	vadd.f32 v1, v2;
	_ =	sdelay $0x1  }
0xfc: {  	v1 =	vmax.f32 v1, $0.0e+00  }
0xfd: {  	s14 =	sadd.s32 $0x1, s14  }
0xfe: {  	p0 =	sne.s32 s14, $0x4  }
.Ltmp2:
0xff: {  	[tilespmem:s18+$0xE500] =	vst v1;
	s15 =	sadd.s32 s6, s15;
	s16 =	simm.s32 $0x0;
	(pc) =	sbr.rel @p0 .LBB2_2-.Ltmp2, $4  }
0x100: {  	[hbm4b:s15+s16] =	stream.linear.scatter [tilespmem:s13], [sflag:$0x2], $0x800, $0x38;
	[tilespmem:$0xED00] =	vst v63  }
0x101: {  	_ =	swait.ge [sflag:s9], $0x800  }
0x102: {  	[sflag:s9] =	ssyncset.done $0x0  }
0x103: {  	[sflag:s9] =	ssyncadd.s32 $0xFFFFF800  }
0x104: {  	s15 =	rddreg [dreg:$0x4]  }
0x105: {  	s14 =	rddreg [dreg:$0x3];
	s15 =	sadd.s32 $0x1, s15  }
0x106: {  	p0 =	sne.s32 s15, s14  }
.Ltmp3:
0x107: {  	_ = 	snop;
	(pc) =	sbr.rel @p0 .LBB2_1-.Ltmp3, $1  }
0x108: {  	_ =	sdelay $0x3  }
0x109: {  	_ =	sfence.sel $0x180000  }
0x10a: {  	[bflag:$0x0] =	sbarrier.arrive $0xFFFF  }
0x10b: {  	_ =	strace $0x90000047  }
0x10c: {  	s0 =	stileid.u32;
	[bflag:$0x2] =	sbarrier.arrive $0xFFFF  }
0x10d: {  	p0 =	sne.s32 s0, $0x0;
	s0 =	rddreg [dreg:$0x2]  }
0x10e: {  	s0 =	sadd.s32 @!p0 $0x100000, s0  }
0x10f: {  	[sflag:s0] =	ssyncadd.tile.s32 @!p0 $0x1;
	_ =	shalt  }
.Lfunc_end2:
_tile_overlayer_lowered:
.L_overlay_start_2:
0x110: {  	(tag) =	ssettag $0x2  }
0x111: {  	s0 =	rddreg [dreg:$0x0];
	s2 =	stileid.u32  }
0x112: {  	s1 =	rddreg [dreg:$0x1];
	p0 =	sne.s32 s2, $0x0  }
0x113: {  	s3 =	rddreg [dreg:$0x2];
	[bflag:$0x3] =	sbarrier.arrive $0xFFFF;
	s2 =	simm.s32 @!p0 $0x1C02  }
0x114: {  	[timem:s3], [sflag:s2] =	dma.local @!p0 [hbm:s0], s1  }
0x115: {  	s0 =	simm.s32 @!p0 $0x2  }
0x116: {  	_ =	swait.ge @!p0 [sflag:s0], s1  }
0x117: {  	s1 =	ssub.s32 @!p0 $0x0, s1;
	[sflag:s0] =	ssyncset.done @!p0 $0x0  }
0x118: {  	[sflag:s0] =	ssyncadd.s32 @!p0 s1  }
0x119: {  	[bflag:$0x3] =	sbarrier.arrive $0xFFFF  }
0x11a: {  	_ =	shalt  }

</sc_bundles>
